<compile_context>
chip_gen: v7x
topology: tpu7x:2x2x1
jax: 0.10.2.dev20260603
libtpu: 0.0.44.dev20260713+nightly
codegen_flags: <defaults>
</compile_context>

<pallas_src>
import jax
import jax.numpy as jnp
from jax import lax
from jax.experimental import pallas as pl
from jax.experimental.pallas import tpu as pltpu
from jax.experimental.pallas import tpu_sc as plsc

E = 320000
V = 10000
D = 128
NC = 2
NS = 16
L = 16

CH = 512
NCH = E // CH
IR = CH // 128
SLOTS = (NCH + NS - 1) // NS

HV = V // NC
ACC_R = 5120
ZR = 64
PT = ACC_R // NS
OT = HV // NS

_mesh = plsc.VectorSubcoreMesh(
    core_axis_name="c", subcore_axis_name="s", num_cores=NC, num_subcores=NS
)


def _body(h_hbm, x2_hbm, out_hbm, acc, hbuf, ibuf, zbuf):
  c = lax.axis_index("c")
  s = lax.axis_index("s")
  lo = c * HV
  hi = lo + HV

  def _zero_zbuf(i, _):
    for k in range(D // L):
      zbuf[i, pl.ds(k * L, L)] = jnp.zeros((L,), jnp.float32)
    return 0

  lax.fori_loop(0, ZR, _zero_zbuf, 0)
  for q in range(PT // ZR):
    pltpu.sync_copy(zbuf, acc.at[pl.ds(s * PT + q * ZR, ZR)])
  plsc.subcore_barrier()

  def _chunk(i, _):
    ch = s + i * NS

    @pl.when(ch < NCH)
    def _():
      pltpu.sync_copy(h_hbm.at[pl.ds(ch * CH, CH)], hbuf)
      pltpu.sync_copy(x2_hbm.at[pl.ds(ch * IR, IR)], ibuf)
      for j in range(IR):
        for k in range(128 // L):
          v = ibuf[j, pl.ds(k * L, L)]
          in_range = (v >= lo) & (v < hi)
          ibuf[j, pl.ds(k * L, L)] = jnp.where(in_range, v - lo, HV)
      for j in range(IR):
        pltpu.sync_copy(
            hbuf.at[pl.ds(j * 128, 128)], acc.at[ibuf.at[j]], add=True
        )

    return 0

  lax.fori_loop(0, SLOTS, _chunk, 0)
  plsc.subcore_barrier()

  pltpu.sync_copy(
      acc.at[pl.ds(s * OT, OT)], out_hbm.at[pl.ds(lo + s * OT, OT)]
  )

  @pl.when(s == 0)
  def _():
    pltpu.sync_copy(
        acc.at[pl.ds(NS * OT, HV - NS * OT)],
        out_hbm.at[pl.ds(lo + NS * OT, HV - NS * OT)],
    )


_seg_sum = pl.kernel(
    _body,
    out_type=jax.ShapeDtypeStruct((V, D), jnp.float32),
    mesh=_mesh,
    scratch_types=[
        pltpu.VMEM_SHARED((ACC_R, D), jnp.float32),
        pltpu.VMEM((CH, D), jnp.float32),
        pltpu.VMEM((IR, 128), jnp.int32),
        pltpu.VMEM((ZR, D), jnp.float32),
    ],
)


@jax.jit
def kernel(H, X_node):
  x2 = X_node.astype(jnp.int32).reshape(E // 128, 128)
  return _seg_sum(H, x2)

# --- scband reference (transcript-rebuilt; emitter-appended) ---
"""Pipeline reference for scband-aggr-sum-48464410968234 (READ-ONLY COPY).

The authoritative reference and input builder live on the scoring server;
editing this copy changes nothing except your own understanding.
"""

import jax, jax.numpy as jnp
import numpy as np

V = 10000
N_EDGES = 320000
D_FEAT = 128


def setup_inputs(seed: int = 0) -> dict:
    key = jax.random.key(seed)
    k1, k2 = jax.random.split(key)
    H = jax.random.normal(k1, (N_EDGES, D_FEAT), dtype=jnp.float32)
    X_node = jnp.sort(jax.random.randint(k2, (N_EDGES,), 0, V))
    return {"H": H, "X_node": X_node}


def reference(H, X_node):
    # Original torch code builds a one-hot mask [V, N] where mask[v, e] = (X_node[e] == v)
    # and computes mask @ squeeze(H). This is mathematically identical to a
    # per-node segment sum of edge messages H over segment ids X_node.
    return jax.ops.segment_sum(jnp.squeeze(H), X_node, num_segments=V)

if __name__ == "__main__":
    import jax
    _d = setup_inputs()
    print(jax.jit(kernel)(*tuple(_d.values())))

</pallas_src>

<mosaic_0001>
#map = affine_map<(d0, d1) -> (0, 0)>
module attributes {stable_mosaic.version = 14 : i64} {
  func.func @_body(%arg0: i32, %arg1: i32, %arg2: memref<320000x128xf32, #tpu.memory_space<hbm>>, %arg3: memref<2500x128xi32, #tpu.memory_space<hbm>>, %arg4: memref<10000x128xf32, #tpu.memory_space<hbm>>, %arg5: memref<5120x128xf32, #tpu.memory_space<vmem_shared>>, %arg6: memref<512x128xf32, #tpu.memory_space<vmem>>, %arg7: memref<4x128xi32, #tpu.memory_space<vmem>>, %arg8: memref<64x128xf32, #tpu.memory_space<vmem>>) attributes {dimension_semantics = [#tpu.dimension_semantics<core_parallel>, #tpu.dimension_semantics<subcore_parallel>], iteration_bounds = array<i64: 2, 16>, scalar_prefetch = 0 : i64, scratch_operands = 4 : i64, tpu.core_type = #tpu.core_type<sc_vector_subcore>, window_params = [{transform_indices = #map}, {transform_indices = #map}, {transform_indices = #map}]} {
    %mul3A = arith.constant 5000 : i32
    %mul3A_0 = arith.muli %arg0, %mul3A : i32
    %add3A = arith.constant 5000 : i32
    %add3A_1 = arith.addi %mul3A_0, %add3A : i32
    %scan3A = arith.constant 0 : i32
    %scan3A_2 = arith.constant 0 : i32
    %scan3A_3 = arith.constant 64 : i32
    %scan3A_4 = arith.addi %scan3A_2, %scan3A_3 : i32
    %scan3A_5 = arith.constant 1 : i32
    %scan3A_6 = scf.for %scan3A_43 = %scan3A_2 to %scan3A_4 step %scan3A_5 iter_args(%scan3A_44 = %scan3A) -> (i32)  : i32 {
      %broadcast_in_dim3A = arith.constant 0.000000e+00 : f32
      %broadcast_in_dim3A_45 = vector.broadcast %broadcast_in_dim3A : f32 to vector<16xf32>
      %swap3A = arith.index_cast %scan3A_43 : i32 to index
      %swap3A_46 = arith.constant 0 : index
      %swap3A_47 = tpu.vector_load %arg8[%swap3A, %swap3A_46] {strides = array<i32>} : memref<64x128xf32, #tpu.memory_space<vmem>>, vector<1x16xf32>,
      %swap3A_48 = vector.shape_cast %swap3A_47 : vector<1x16xf32> to vector<16xf32>
      %swap3A_49 = vector.shape_cast %broadcast_in_dim3A_45 : vector<16xf32> to vector<1x16xf32>
      tpu.vector_store %arg8[%swap3A, %swap3A_46], %swap3A_49 {strides = array<i32>} : memref<64x128xf32, #tpu.memory_space<vmem>>, vector<1x16xf32>,
      %broadcast_in_dim3A_50 = arith.constant 0.000000e+00 : f32
      %broadcast_in_dim3A_51 = vector.broadcast %broadcast_in_dim3A_50 : f32 to vector<16xf32>
      %swap3A_52 = arith.index_cast %scan3A_43 : i32 to index
      %swap3A_53 = arith.constant 16 : index
      %swap3A_54 = tpu.vector_load %arg8[%swap3A_52, %swap3A_53] {strides = array<i32>} : memref<64x128xf32, #tpu.memory_space<vmem>>, vector<1x16xf32>,
      %swap3A_55 = vector.shape_cast %swap3A_54 : vector<1x16xf32> to vector<16xf32>
      %swap3A_56 = vector.shape_cast %broadcast_in_dim3A_51 : vector<16xf32> to vector<1x16xf32>
      tpu.vector_store %arg8[%swap3A_52, %swap3A_53], %swap3A_56 {strides = array<i32>} : memref<64x128xf32, #tpu.memory_space<vmem>>, vector<1x16xf32>,
      %broadcast_in_dim3A_57 = arith.constant 0.000000e+00 : f32
      %broadcast_in_dim3A_58 = vector.broadcast %broadcast_in_dim3A_57 : f32 to vector<16xf32>
      %swap3A_59 = arith.index_cast %scan3A_43 : i32 to index
      %swap3A_60 = arith.constant 32 : index
      %swap3A_61 = tpu.vector_load %arg8[%swap3A_59, %swap3A_60] {strides = array<i32>} : memref<64x128xf32, #tpu.memory_space<vmem>>, vector<1x16xf32>,
      %swap3A_62 = vector.shape_cast %swap3A_61 : vector<1x16xf32> to vector<16xf32>
      %swap3A_63 = vector.shape_cast %broadcast_in_dim3A_58 : vector<16xf32> to vector<1x16xf32>
      tpu.vector_store %arg8[%swap3A_59, %swap3A_60], %swap3A_63 {strides = array<i32>} : memref<64x128xf32, #tpu.memory_space<vmem>>, vector<1x16xf32>,
      %broadcast_in_dim3A_64 = arith.constant 0.000000e+00 : f32
      %broadcast_in_dim3A_65 = vector.broadcast %broadcast_in_dim3A_64 : f32 to vector<16xf32>
      %swap3A_66 = arith.index_cast %scan3A_43 : i32 to index
      %swap3A_67 = arith.constant 48 : index
      %swap3A_68 = tpu.vector_load %arg8[%swap3A_66, %swap3A_67] {strides = array<i32>} : memref<64x128xf32, #tpu.memory_space<vmem>>, vector<1x16xf32>,
      %swap3A_69 = vector.shape_cast %swap3A_68 : vector<1x16xf32> to vector<16xf32>
      %swap3A_70 = vector.shape_cast %broadcast_in_dim3A_65 : vector<16xf32> to vector<1x16xf32>
      tpu.vector_store %arg8[%swap3A_66, %swap3A_67], %swap3A_70 {strides = array<i32>} : memref<64x128xf32, #tpu.memory_space<vmem>>, vector<1x16xf32>,
      %broadcast_in_dim3A_71 = arith.constant 0.000000e+00 : f32
      %broadcast_in_dim3A_72 = vector.broadcast %broadcast_in_dim3A_71 : f32 to vector<16xf32>
      %swap3A_73 = arith.index_cast %scan3A_43 : i32 to index
      %swap3A_74 = arith.constant 64 : index
      %swap3A_75 = tpu.vector_load %arg8[%swap3A_73, %swap3A_74] {strides = array<i32>} : memref<64x128xf32, #tpu.memory_space<vmem>>, vector<1x16xf32>,
      %swap3A_76 = vector.shape_cast %swap3A_75 : vector<1x16xf32> to vector<16xf32>
      %swap3A_77 = vector.shape_cast %broadcast_in_dim3A_72 : vector<16xf32> to vector<1x16xf32>
      tpu.vector_store %arg8[%swap3A_73, %swap3A_74], %swap3A_77 {strides = array<i32>} : memref<64x128xf32, #tpu.memory_space<vmem>>, vector<1x16xf32>,
      %broadcast_in_dim3A_78 = arith.constant 0.000000e+00 : f32
      %broadcast_in_dim3A_79 = vector.broadcast %broadcast_in_dim3A_78 : f32 to vector<16xf32>
      %swap3A_80 = arith.index_cast %scan3A_43 : i32 to index
      %swap3A_81 = arith.constant 80 : index
      %swap3A_82 = tpu.vector_load %arg8[%swap3A_80, %swap3A_81] {strides = array<i32>} : memref<64x128xf32, #tpu.memory_space<vmem>>, vector<1x16xf32>,
      %swap3A_83 = vector.shape_cast %swap3A_82 : vector<1x16xf32> to vector<16xf32>
      %swap3A_84 = vector.shape_cast %broadcast_in_dim3A_79 : vector<16xf32> to vector<1x16xf32>
      tpu.vector_store %arg8[%swap3A_80, %swap3A_81], %swap3A_84 {strides = array<i32>} : memref<64x128xf32, #tpu.memory_space<vmem>>, vector<1x16xf32>,
      %broadcast_in_dim3A_85 = arith.constant 0.000000e+00 : f32
      %broadcast_in_dim3A_86 = vector.broadcast %broadcast_in_dim3A_85 : f32 to vector<16xf32>
      %swap3A_87 = arith.index_cast %scan3A_43 : i32 to index
      %swap3A_88 = arith.constant 96 : index
      %swap3A_89 = tpu.vector_load %arg8[%swap3A_87, %swap3A_88] {strides = array<i32>} : memref<64x128xf32, #tpu.memory_space<vmem>>, vector<1x16xf32>,
      %swap3A_90 = vector.shape_cast %swap3A_89 : vector<1x16xf32> to vector<16xf32>
      %swap3A_91 = vector.shape_cast %broadcast_in_dim3A_86 : vector<16xf32> to vector<1x16xf32>
      tpu.vector_store %arg8[%swap3A_87, %swap3A_88], %swap3A_91 {strides = array<i32>} : memref<64x128xf32, #tpu.memory_space<vmem>>, vector<1x16xf32>,
      %broadcast_in_dim3A_92 = arith.constant 0.000000e+00 : f32
      %broadcast_in_dim3A_93 = vector.broadcast %broadcast_in_dim3A_92 : f32 to vector<16xf32>
      %swap3A_94 = arith.index_cast %scan3A_43 : i32 to index
      %swap3A_95 = arith.constant 112 : index
      %swap3A_96 = tpu.vector_load %arg8[%swap3A_94, %swap3A_95] {strides = array<i32>} : memref<64x128xf32, #tpu.memory_space<vmem>>, vector<1x16xf32>,
      %swap3A_97 = vector.shape_cast %swap3A_96 : vector<1x16xf32> to vector<16xf32>
      %swap3A_98 = vector.shape_cast %broadcast_in_dim3A_93 : vector<16xf32> to vector<1x16xf32>
      tpu.vector_store %arg8[%swap3A_94, %swap3A_95], %swap3A_98 {strides = array<i32>} : memref<64x128xf32, #tpu.memory_space<vmem>>, vector<1x16xf32>,
      %scan3A_99 = arith.constant 0 : i32
      scf.yield %scan3A_99 : i32
    }
    %scan3A_7 = arith.constant 64 : i32
    %mul3A_8 = arith.constant 320 : i32
    %mul3A_9 = arith.muli %arg1, %mul3A_8 : i32
    %add3A_10 = arith.constant 0 : i32
    %add3A_11 = arith.addi %mul3A_9, %add3A_10 : i32
    "tpu.region"() ({
      %run_scoped3A = tpu.sem_alloc : memref<!tpu.dma_semaphore, #tpu.memory_space<semaphore_mem>>
      %dma_start3A = arith.constant 0 : i32
      %dma_start3A_43 = tpu.memref_slice %arg5[%add3A_11, %dma_start3A] : memref<5120x128xf32, #tpu.memory_space<vmem_shared>> -> memref<64x128xf32, #tpu.memory_space<vmem_shared>>
      %dma_start3A_44 = arith.constant 0 : i32
      %dma_start3A_45 = tpu.memref_slice %arg5[%add3A_11, %dma_start3A_44] : memref<5120x128xf32, #tpu.memory_space<vmem_shared>> -> memref<64x128xf32, #tpu.memory_space<vmem_shared>>
      tpu.enqueue_dma source(%arg8 : memref<64x128xf32, #tpu.memory_space<vmem>>) target(%dma_start3A_45 : memref<64x128xf32, #tpu.memory_space<vmem_shared>>) target_semaphore(%run_scoped3A : memref<!tpu.dma_semaphore, #tpu.memory_space<semaphore_mem>>)
      %dma_wait3A = arith.constant 0 : i32
      %dma_wait3A_46 = tpu.memref_slice %arg5[%add3A_11, %dma_wait3A] : memref<5120x128xf32, #tpu.memory_space<vmem_shared>> -> memref<64x128xf32, #tpu.memory_space<vmem_shared>>
      %dma_wait3A_47 = arith.constant 0 : i32
      %dma_wait3A_48 = tpu.memref_slice %arg5[%add3A_11, %dma_wait3A_47] : memref<5120x128xf32, #tpu.memory_space<vmem_shared>> -> memref<64x128xf32, #tpu.memory_space<vmem_shared>>
      tpu.wait_dma2 semaphore(%run_scoped3A : memref<!tpu.dma_semaphore, #tpu.memory_space<semaphore_mem>>) src(%arg8 : memref<64x128xf32, #tpu.memory_space<vmem>>) dst(%dma_wait3A_48 : memref<64x128xf32, #tpu.memory_space<vmem_shared>>)
      tpu.yield
    }) : () -> ()
    %mul3A_12 = arith.constant 320 : i32
    %mul3A_13 = arith.muli %arg1, %mul3A_12 : i32
    %add3A_14 = arith.constant 64 : i32
    %add3A_15 = arith.addi %mul3A_13, %add3A_14 : i32
    "tpu.region"() ({
      %run_scoped3A = tpu.sem_alloc : memref<!tpu.dma_semaphore, #tpu.memory_space<semaphore_mem>>
      %dma_start3A = arith.constant 0 : i32
      %dma_start3A_43 = tpu.memref_slice %arg5[%add3A_15, %dma_start3A] : memref<5120x128xf32, #tpu.memory_space<vmem_shared>> -> memref<64x128xf32, #tpu.memory_space<vmem_shared>>
      %dma_start3A_44 = arith.constant 0 : i32
      %dma_start3A_45 = tpu.memref_slice %arg5[%add3A_15, %dma_start3A_44] : memref<5120x128xf32, #tpu.memory_space<vmem_shared>> -> memref<64x128xf32, #tpu.memory_space<vmem_shared>>
      tpu.enqueue_dma source(%arg8 : memref<64x128xf32, #tpu.memory_space<vmem>>) target(%dma_start3A_45 : memref<64x128xf32, #tpu.memory_space<vmem_shared>>) target_semaphore(%run_scoped3A : memref<!tpu.dma_semaphore, #tpu.memory_space<semaphore_mem>>)
      %dma_wait3A = arith.constant 0 : i32
      %dma_wait3A_46 = tpu.memref_slice %arg5[%add3A_15, %dma_wait3A] : memref<5120x128xf32, #tpu.memory_space<vmem_shared>> -> memref<64x128xf32, #tpu.memory_space<vmem_shared>>
      %dma_wait3A_47 = arith.constant 0 : i32
      %dma_wait3A_48 = tpu.memref_slice %arg5[%add3A_15, %dma_wait3A_47] : memref<5120x128xf32, #tpu.memory_space<vmem_shared>> -> memref<64x128xf32, #tpu.memory_space<vmem_shared>>
      tpu.wait_dma2 semaphore(%run_scoped3A : memref<!tpu.dma_semaphore, #tpu.memory_space<semaphore_mem>>) src(%arg8 : memref<64x128xf32, #tpu.memory_space<vmem>>) dst(%dma_wait3A_48 : memref<64x128xf32, #tpu.memory_space<vmem_shared>>)
      tpu.yield
    }) : () -> ()
    %mul3A_16 = arith.constant 320 : i32
    %mul3A_17 = arith.muli %arg1, %mul3A_16 : i32
    %add3A_18 = arith.constant 128 : i32
    %add3A_19 = arith.addi %mul3A_17, %add3A_18 : i32
    "tpu.region"() ({
      %run_scoped3A = tpu.sem_alloc : memref<!tpu.dma_semaphore, #tpu.memory_space<semaphore_mem>>
      %dma_start3A = arith.constant 0 : i32
      %dma_start3A_43 = tpu.memref_slice %arg5[%add3A_19, %dma_start3A] : memref<5120x128xf32, #tpu.memory_space<vmem_shared>> -> memref<64x128xf32, #tpu.memory_space<vmem_shared>>
      %dma_start3A_44 = arith.constant 0 : i32
      %dma_start3A_45 = tpu.memref_slice %arg5[%add3A_19, %dma_start3A_44] : memref<5120x128xf32, #tpu.memory_space<vmem_shared>> -> memref<64x128xf32, #tpu.memory_space<vmem_shared>>
      tpu.enqueue_dma source(%arg8 : memref<64x128xf32, #tpu.memory_space<vmem>>) target(%dma_start3A_45 : memref<64x128xf32, #tpu.memory_space<vmem_shared>>) target_semaphore(%run_scoped3A : memref<!tpu.dma_semaphore, #tpu.memory_space<semaphore_mem>>)
      %dma_wait3A = arith.constant 0 : i32
      %dma_wait3A_46 = tpu.memref_slice %arg5[%add3A_19, %dma_wait3A] : memref<5120x128xf32, #tpu.memory_space<vmem_shared>> -> memref<64x128xf32, #tpu.memory_space<vmem_shared>>
      %dma_wait3A_47 = arith.constant 0 : i32
      %dma_wait3A_48 = tpu.memref_slice %arg5[%add3A_19, %dma_wait3A_47] : memref<5120x128xf32, #tpu.memory_space<vmem_shared>> -> memref<64x128xf32, #tpu.memory_space<vmem_shared>>
      tpu.wait_dma2 semaphore(%run_scoped3A : memref<!tpu.dma_semaphore, #tpu.memory_space<semaphore_mem>>) src(%arg8 : memref<64x128xf32, #tpu.memory_space<vmem>>) dst(%dma_wait3A_48 : memref<64x128xf32, #tpu.memory_space<vmem_shared>>)
      tpu.yield
    }) : () -> ()
    %mul3A_20 = arith.constant 320 : i32
    %mul3A_21 = arith.muli %arg1, %mul3A_20 : i32
    %add3A_22 = arith.constant 192 : i32
    %add3A_23 = arith.addi %mul3A_21, %add3A_22 : i32
    "tpu.region"() ({
      %run_scoped3A = tpu.sem_alloc : memref<!tpu.dma_semaphore, #tpu.memory_space<semaphore_mem>>
      %dma_start3A = arith.constant 0 : i32
      %dma_start3A_43 = tpu.memref_slice %arg5[%add3A_23, %dma_start3A] : memref<5120x128xf32, #tpu.memory_space<vmem_shared>> -> memref<64x128xf32, #tpu.memory_space<vmem_shared>>
      %dma_start3A_44 = arith.constant 0 : i32
      %dma_start3A_45 = tpu.memref_slice %arg5[%add3A_23, %dma_start3A_44] : memref<5120x128xf32, #tpu.memory_space<vmem_shared>> -> memref<64x128xf32, #tpu.memory_space<vmem_shared>>
      tpu.enqueue_dma source(%arg8 : memref<64x128xf32, #tpu.memory_space<vmem>>) target(%dma_start3A_45 : memref<64x128xf32, #tpu.memory_space<vmem_shared>>) target_semaphore(%run_scoped3A : memref<!tpu.dma_semaphore, #tpu.memory_space<semaphore_mem>>)
      %dma_wait3A = arith.constant 0 : i32
      %dma_wait3A_46 = tpu.memref_slice %arg5[%add3A_23, %dma_wait3A] : memref<5120x128xf32, #tpu.memory_space<vmem_shared>> -> memref<64x128xf32, #tpu.memory_space<vmem_shared>>
      %dma_wait3A_47 = arith.constant 0 : i32
      %dma_wait3A_48 = tpu.memref_slice %arg5[%add3A_23, %dma_wait3A_47] : memref<5120x128xf32, #tpu.memory_space<vmem_shared>> -> memref<64x128xf32, #tpu.memory_space<vmem_shared>>
      tpu.wait_dma2 semaphore(%run_scoped3A : memref<!tpu.dma_semaphore, #tpu.memory_space<semaphore_mem>>) src(%arg8 : memref<64x128xf32, #tpu.memory_space<vmem>>) dst(%dma_wait3A_48 : memref<64x128xf32, #tpu.memory_space<vmem_shared>>)
      tpu.yield
    }) : () -> ()
    %mul3A_24 = arith.constant 320 : i32
    %mul3A_25 = arith.muli %arg1, %mul3A_24 : i32
    %add3A_26 = arith.constant 256 : i32
    %add3A_27 = arith.addi %mul3A_25, %add3A_26 : i32
    "tpu.region"() ({
      %run_scoped3A = tpu.sem_alloc : memref<!tpu.dma_semaphore, #tpu.memory_space<semaphore_mem>>
      %dma_start3A = arith.constant 0 : i32
      %dma_start3A_43 = tpu.memref_slice %arg5[%add3A_27, %dma_start3A] : memref<5120x128xf32, #tpu.memory_space<vmem_shared>> -> memref<64x128xf32, #tpu.memory_space<vmem_shared>>
      %dma_start3A_44 = arith.constant 0 : i32
      %dma_start3A_45 = tpu.memref_slice %arg5[%add3A_27, %dma_start3A_44] : memref<5120x128xf32, #tpu.memory_space<vmem_shared>> -> memref<64x128xf32, #tpu.memory_space<vmem_shared>>
      tpu.enqueue_dma source(%arg8 : memref<64x128xf32, #tpu.memory_space<vmem>>) target(%dma_start3A_45 : memref<64x128xf32, #tpu.memory_space<vmem_shared>>) target_semaphore(%run_scoped3A : memref<!tpu.dma_semaphore, #tpu.memory_space<semaphore_mem>>)
      %dma_wait3A = arith.constant 0 : i32
      %dma_wait3A_46 = tpu.memref_slice %arg5[%add3A_27, %dma_wait3A] : memref<5120x128xf32, #tpu.memory_space<vmem_shared>> -> memref<64x128xf32, #tpu.memory_space<vmem_shared>>
      %dma_wait3A_47 = arith.constant 0 : i32
      %dma_wait3A_48 = tpu.memref_slice %arg5[%add3A_27, %dma_wait3A_47] : memref<5120x128xf32, #tpu.memory_space<vmem_shared>> -> memref<64x128xf32, #tpu.memory_space<vmem_shared>>
      tpu.wait_dma2 semaphore(%run_scoped3A : memref<!tpu.dma_semaphore, #tpu.memory_space<semaphore_mem>>) src(%arg8 : memref<64x128xf32, #tpu.memory_space<vmem>>) dst(%dma_wait3A_48 : memref<64x128xf32, #tpu.memory_space<vmem_shared>>)
      tpu.yield
    }) : () -> ()
    %barrier3A = arith.constant 0 : index
    tpu.barrier barrier_id(%barrier3A)
    %scan3A_28 = arith.constant 0 : i32
    %scan3A_29 = arith.constant 0 : i32
    %scan3A_30 = arith.constant 40 : i32
    %scan3A_31 = arith.addi %scan3A_29, %scan3A_30 : i32
    %scan3A_32 = arith.constant 1 : i32
    %scan3A_33 = scf.for %scan3A_43 = %scan3A_29 to %scan3A_31 step %scan3A_32 iter_args(%scan3A_44 = %scan3A_28) -> (i32)  : i32 {
      %mul3A_45 = arith.constant 16 : i32
      %mul3A_46 = arith.muli %scan3A_43, %mul3A_45 : i32
      %add3A_47 = arith.addi %arg1, %mul3A_46 : i32
      %lt3A = arith.constant 625 : i32
      %lt3A_48 = arith.cmpi slt, %add3A_47, %lt3A : i32
      %convert_element_type3A_49 = arith.extui %lt3A_48 : i1 to i32
      %cond3A_50 = arith.constant 0 : i32
      %cond3A_51 = arith.cmpi ne, %convert_element_type3A_49, %cond3A_50 : i32
      scf.if %cond3A_51 {
        %mul3A_53 = arith.constant 512 : i32
        %mul3A_54 = arith.muli %add3A_47, %mul3A_53 : i32
        "tpu.region"() ({
          %run_scoped3A_724 = tpu.sem_alloc : memref<!tpu.dma_semaphore, #tpu.memory_space<semaphore_mem>>
          %dma_start3A = arith.constant 0 : i32
          %dma_start3A_725 = tpu.memref_slice %arg2[%mul3A_54, %dma_start3A] : memref<320000x128xf32, #tpu.memory_space<hbm>> -> memref<512x128xf32, #tpu.memory_space<hbm>>
          %dma_start3A_726 = arith.constant 0 : i32
          %dma_start3A_727 = tpu.memref_slice %arg2[%mul3A_54, %dma_start3A_726] : memref<320000x128xf32, #tpu.memory_space<hbm>> -> memref<512x128xf32, #tpu.memory_space<hbm>>
          tpu.enqueue_dma source(%dma_start3A_727 : memref<512x128xf32, #tpu.memory_space<hbm>>) target(%arg6 : memref<512x128xf32, #tpu.memory_space<vmem>>) target_semaphore(%run_scoped3A_724 : memref<!tpu.dma_semaphore, #tpu.memory_space<semaphore_mem>>)
          %dma_wait3A = arith.constant 0 : i32
          %dma_wait3A_728 = tpu.memref_slice %arg2[%mul3A_54, %dma_wait3A] : memref<320000x128xf32, #tpu.memory_space<hbm>> -> memref<512x128xf32, #tpu.memory_space<hbm>>
          %dma_wait3A_729 = arith.constant 0 : i32
          %dma_wait3A_730 = tpu.memref_slice %arg2[%mul3A_54, %dma_wait3A_729] : memref<320000x128xf32, #tpu.memory_space<hbm>> -> memref<512x128xf32, #tpu.memory_space<hbm>>
          tpu.wait_dma2 semaphore(%run_scoped3A_724 : memref<!tpu.dma_semaphore, #tpu.memory_space<semaphore_mem>>) src(%dma_wait3A_730 : memref<512x128xf32, #tpu.memory_space<hbm>>) dst(%arg6 : memref<512x128xf32, #tpu.memory_space<vmem>>)
          tpu.yield
        }) : () -> ()
        %mul3A_55 = arith.constant 4 : i32
        %mul3A_56 = arith.muli %add3A_47, %mul3A_55 : i32
        "tpu.region"() ({
          %run_scoped3A_724 = tpu.sem_alloc : memref<!tpu.dma_semaphore, #tpu.memory_space<semaphore_mem>>
          %dma_start3A = arith.constant 0 : i32
          %dma_start3A_725 = tpu.memref_slice %arg3[%mul3A_56, %dma_start3A] : memref<2500x128xi32, #tpu.memory_space<hbm>> -> memref<4x128xi32, #tpu.memory_space<hbm>>
          %dma_start3A_726 = arith.constant 0 : i32
          %dma_start3A_727 = tpu.memref_slice %arg3[%mul3A_56, %dma_start3A_726] : memref<2500x128xi32, #tpu.memory_space<hbm>> -> memref<4x128xi32, #tpu.memory_space<hbm>>
          tpu.enqueue_dma source(%dma_start3A_727 : memref<4x128xi32, #tpu.memory_space<hbm>>) target(%arg7 : memref<4x128xi32, #tpu.memory_space<vmem>>) target_semaphore(%run_scoped3A_724 : memref<!tpu.dma_semaphore, #tpu.memory_space<semaphore_mem>>)
          %dma_wait3A = arith.constant 0 : i32
          %dma_wait3A_728 = tpu.memref_slice %arg3[%mul3A_56, %dma_wait3A] : memref<2500x128xi32, #tpu.memory_space<hbm>> -> memref<4x128xi32, #tpu.memory_space<hbm>>
          %dma_wait3A_729 = arith.constant 0 : i32
          %dma_wait3A_730 = tpu.memref_slice %arg3[%mul3A_56, %dma_wait3A_729] : memref<2500x128xi32, #tpu.memory_space<hbm>> -> memref<4x128xi32, #tpu.memory_space<hbm>>
          tpu.wait_dma2 semaphore(%run_scoped3A_724 : memref<!tpu.dma_semaphore, #tpu.memory_space<semaphore_mem>>) src(%dma_wait3A_730 : memref<4x128xi32, #tpu.memory_space<hbm>>) dst(%arg7 : memref<4x128xi32, #tpu.memory_space<vmem>>)
          tpu.yield
        }) : () -> ()
        %get3A = arith.constant 0 : i32
        %get3A_57 = arith.index_cast %get3A : i32 to index
        %get3A_58 = arith.constant 0 : index
        %get3A_59 = tpu.vector_load %arg7[%get3A_57, %get3A_58] {strides = array<i32>} : memref<4x128xi32, #tpu.memory_space<vmem>>, vector<1x16xi32>,
        %get3A_60 = vector.shape_cast %get3A_59 : vector<1x16xi32> to vector<16xi32>
        %ge3A = vector.broadcast %mul3A_0 : i32 to vector<16xi32>
        %ge3A_61 = arith.cmpi sge, %get3A_60, %ge3A : vector<16xi32>
        %lt3A_62 = vector.broadcast %add3A_1 : i32 to vector<16xi32>
        %lt3A_63 = arith.cmpi slt, %get3A_60, %lt3A_62 : vector<16xi32>
        %and3A = arith.andi %ge3A_61, %lt3A_63 : vector<16xi1>
        %sub3A = vector.broadcast %mul3A_0 : i32 to vector<16xi32>
        %sub3A_64 = arith.subi %get3A_60, %sub3A : vector<16xi32>
        %jit3A = arith.constant 5000 : i32
        %broadcast_in_dim3A = vector.broadcast %jit3A : i32 to vector<16xi32>
        %select_n3A = arith.select %and3A, %sub3A_64, %broadcast_in_dim3A : vector<16xi1>, vector<16xi32>
        %swap3A = arith.constant 0 : i32
        %swap3A_65 = arith.index_cast %swap3A : i32 to index
        %swap3A_66 = arith.constant 0 : index
        %swap3A_67 = tpu.vector_load %arg7[%swap3A_65, %swap3A_66] {strides = array<i32>} : memref<4x128xi32, #tpu.memory_space<vmem>>, vector<1x16xi32>,
        %swap3A_68 = vector.shape_cast %swap3A_67 : vector<1x16xi32> to vector<16xi32>
        %swap3A_69 = vector.shape_cast %select_n3A : vector<16xi32> to vector<1x16xi32>
        tpu.vector_store %arg7[%swap3A_65, %swap3A_66], %swap3A_69 {strides = array<i32>} : memref<4x128xi32, #tpu.memory_space<vmem>>, vector<1x16xi32>,
        %get3A_70 = arith.constant 0 : i32
        %get3A_71 = arith.index_cast %get3A_70 : i32 to index
        %get3A_72 = arith.constant 16 : index
        %get3A_73 = tpu.vector_load %arg7[%get3A_71, %get3A_72] {strides = array<i32>} : memref<4x128xi32, #tpu.memory_space<vmem>>, vector<1x16xi32>,
        %get3A_74 = vector.shape_cast %get3A_73 : vector<1x16xi32> to vector<16xi32>
        %ge3A_75 = vector.broadcast %mul3A_0 : i32 to vector<16xi32>
        %ge3A_76 = arith.cmpi sge, %get3A_74, %ge3A_75 : vector<16xi32>
        %lt3A_77 = vector.broadcast %add3A_1 : i32 to vector<16xi32>
        %lt3A_78 = arith.cmpi slt, %get3A_74, %lt3A_77 : vector<16xi32>
        %and3A_79 = arith.andi %ge3A_76, %lt3A_78 : vector<16xi1>
        %sub3A_80 = vector.broadcast %mul3A_0 : i32 to vector<16xi32>
        %sub3A_81 = arith.subi %get3A_74, %sub3A_80 : vector<16xi32>
        %jit3A_82 = arith.constant 5000 : i32
        %broadcast_in_dim3A_83 = vector.broadcast %jit3A_82 : i32 to vector<16xi32>
        %select_n3A_84 = arith.select %and3A_79, %sub3A_81, %broadcast_in_dim3A_83 : vector<16xi1>, vector<16xi32>
        %swap3A_85 = arith.constant 0 : i32
        %swap3A_86 = arith.index_cast %swap3A_85 : i32 to index
        %swap3A_87 = arith.constant 16 : index
        %swap3A_88 = tpu.vector_load %arg7[%swap3A_86, %swap3A_87] {strides = array<i32>} : memref<4x128xi32, #tpu.memory_space<vmem>>, vector<1x16xi32>,
        %swap3A_89 = vector.shape_cast %swap3A_88 : vector<1x16xi32> to vector<16xi32>
        %swap3A_90 = vector.shape_cast %select_n3A_84 : vector<16xi32> to vector<1x16xi32>
        tpu.vector_store %arg7[%swap3A_86, %swap3A_87], %swap3A_90 {strides = array<i32>} : memref<4x128xi32, #tpu.memory_space<vmem>>, vector<1x16xi32>,
        %get3A_91 = arith.constant 0 : i32
        %get3A_92 = arith.index_cast %get3A_91 : i32 to index
        %get3A_93 = arith.constant 32 : index
        %get3A_94 = tpu.vector_load %arg7[%get3A_92, %get3A_93] {strides = array<i32>} : memref<4x128xi32, #tpu.memory_space<vmem>>, vector<1x16xi32>,
        %get3A_95 = vector.shape_cast %get3A_94 : vector<1x16xi32> to vector<16xi32>
        %ge3A_96 = vector.broadcast %mul3A_0 : i32 to vector<16xi32>
        %ge3A_97 = arith.cmpi sge, %get3A_95, %ge3A_96 : vector<16xi32>
        %lt3A_98 = vector.broadcast %add3A_1 : i32 to vector<16xi32>
        %lt3A_99 = arith.cmpi slt, %get3A_95, %lt3A_98 : vector<16xi32>
        %and3A_100 = arith.andi %ge3A_97, %lt3A_99 : vector<16xi1>
        %sub3A_101 = vector.broadcast %mul3A_0 : i32 to vector<16xi32>
        %sub3A_102 = arith.subi %get3A_95, %sub3A_101 : vector<16xi32>
        %jit3A_103 = arith.constant 5000 : i32
        %broadcast_in_dim3A_104 = vector.broadcast %jit3A_103 : i32 to vector<16xi32>
        %select_n3A_105 = arith.select %and3A_100, %sub3A_102, %broadcast_in_dim3A_104 : vector<16xi1>, vector<16xi32>
        %swap3A_106 = arith.constant 0 : i32
        %swap3A_107 = arith.index_cast %swap3A_106 : i32 to index
        %swap3A_108 = arith.constant 32 : index
        %swap3A_109 = tpu.vector_load %arg7[%swap3A_107, %swap3A_108] {strides = array<i32>} : memref<4x128xi32, #tpu.memory_space<vmem>>, vector<1x16xi32>,
        %swap3A_110 = vector.shape_cast %swap3A_109 : vector<1x16xi32> to vector<16xi32>
        %swap3A_111 = vector.shape_cast %select_n3A_105 : vector<16xi32> to vector<1x16xi32>
        tpu.vector_store %arg7[%swap3A_107, %swap3A_108], %swap3A_111 {strides = array<i32>} : memref<4x128xi32, #tpu.memory_space<vmem>>, vector<1x16xi32>,
        %get3A_112 = arith.constant 0 : i32
        %get3A_113 = arith.index_cast %get3A_112 : i32 to index
        %get3A_114 = arith.constant 48 : index
        %get3A_115 = tpu.vector_load %arg7[%get3A_113, %get3A_114] {strides = array<i32>} : memref<4x128xi32, #tpu.memory_space<vmem>>, vector<1x16xi32>,
        %get3A_116 = vector.shape_cast %get3A_115 : vector<1x16xi32> to vector<16xi32>
        %ge3A_117 = vector.broadcast %mul3A_0 : i32 to vector<16xi32>
        %ge3A_118 = arith.cmpi sge, %get3A_116, %ge3A_117 : vector<16xi32>
        %lt3A_119 = vector.broadcast %add3A_1 : i32 to vector<16xi32>
        %lt3A_120 = arith.cmpi slt, %get3A_116, %lt3A_119 : vector<16xi32>
        %and3A_121 = arith.andi %ge3A_118, %lt3A_120 : vector<16xi1>
        %sub3A_122 = vector.broadcast %mul3A_0 : i32 to vector<16xi32>
        %sub3A_123 = arith.subi %get3A_116, %sub3A_122 : vector<16xi32>
        %jit3A_124 = arith.constant 5000 : i32
        %broadcast_in_dim3A_125 = vector.broadcast %jit3A_124 : i32 to vector<16xi32>
        %select_n3A_126 = arith.select %and3A_121, %sub3A_123, %broadcast_in_dim3A_125 : vector<16xi1>, vector<16xi32>
        %swap3A_127 = arith.constant 0 : i32
        %swap3A_128 = arith.index_cast %swap3A_127 : i32 to index
        %swap3A_129 = arith.constant 48 : index
        %swap3A_130 = tpu.vector_load %arg7[%swap3A_128, %swap3A_129] {strides = array<i32>} : memref<4x128xi32, #tpu.memory_space<vmem>>, vector<1x16xi32>,
        %swap3A_131 = vector.shape_cast %swap3A_130 : vector<1x16xi32> to vector<16xi32>
        %swap3A_132 = vector.shape_cast %select_n3A_126 : vector<16xi32> to vector<1x16xi32>
        tpu.vector_store %arg7[%swap3A_128, %swap3A_129], %swap3A_132 {strides = array<i32>} : memref<4x128xi32, #tpu.memory_space<vmem>>, vector<1x16xi32>,
        %get3A_133 = arith.constant 0 : i32
        %get3A_134 = arith.index_cast %get3A_133 : i32 to index
        %get3A_135 = arith.constant 64 : index
        %get3A_136 = tpu.vector_load %arg7[%get3A_134, %get3A_135] {strides = array<i32>} : memref<4x128xi32, #tpu.memory_space<vmem>>, vector<1x16xi32>,
        %get3A_137 = vector.shape_cast %get3A_136 : vector<1x16xi32> to vector<16xi32>
        %ge3A_138 = vector.broadcast %mul3A_0 : i32 to vector<16xi32>
        %ge3A_139 = arith.cmpi sge, %get3A_137, %ge3A_138 : vector<16xi32>
        %lt3A_140 = vector.broadcast %add3A_1 : i32 to vector<16xi32>
        %lt3A_141 = arith.cmpi slt, %get3A_137, %lt3A_140 : vector<16xi32>
        %and3A_142 = arith.andi %ge3A_139, %lt3A_141 : vector<16xi1>
        %sub3A_143 = vector.broadcast %mul3A_0 : i32 to vector<16xi32>
        %sub3A_144 = arith.subi %get3A_137, %sub3A_143 : vector<16xi32>
        %jit3A_145 = arith.constant 5000 : i32
        %broadcast_in_dim3A_146 = vector.broadcast %jit3A_145 : i32 to vector<16xi32>
        %select_n3A_147 = arith.select %and3A_142, %sub3A_144, %broadcast_in_dim3A_146 : vector<16xi1>, vector<16xi32>
        %swap3A_148 = arith.constant 0 : i32
        %swap3A_149 = arith.index_cast %swap3A_148 : i32 to index
        %swap3A_150 = arith.constant 64 : index
        %swap3A_151 = tpu.vector_load %arg7[%swap3A_149, %swap3A_150] {strides = array<i32>} : memref<4x128xi32, #tpu.memory_space<vmem>>, vector<1x16xi32>,
        %swap3A_152 = vector.shape_cast %swap3A_151 : vector<1x16xi32> to vector<16xi32>
        %swap3A_153 = vector.shape_cast %select_n3A_147 : vector<16xi32> to vector<1x16xi32>
        tpu.vector_store %arg7[%swap3A_149, %swap3A_150], %swap3A_153 {strides = array<i32>} : memref<4x128xi32, #tpu.memory_space<vmem>>, vector<1x16xi32>,
        %get3A_154 = arith.constant 0 : i32
        %get3A_155 = arith.index_cast %get3A_154 : i32 to index
        %get3A_156 = arith.constant 80 : index
        %get3A_157 = tpu.vector_load %arg7[%get3A_155, %get3A_156] {strides = array<i32>} : memref<4x128xi32, #tpu.memory_space<vmem>>, vector<1x16xi32>,
        %get3A_158 = vector.shape_cast %get3A_157 : vector<1x16xi32> to vector<16xi32>
        %ge3A_159 = vector.broadcast %mul3A_0 : i32 to vector<16xi32>
        %ge3A_160 = arith.cmpi sge, %get3A_158, %ge3A_159 : vector<16xi32>
        %lt3A_161 = vector.broadcast %add3A_1 : i32 to vector<16xi32>
        %lt3A_162 = arith.cmpi slt, %get3A_158, %lt3A_161 : vector<16xi32>
        %and3A_163 = arith.andi %ge3A_160, %lt3A_162 : vector<16xi1>
        %sub3A_164 = vector.broadcast %mul3A_0 : i32 to vector<16xi32>
        %sub3A_165 = arith.subi %get3A_158, %sub3A_164 : vector<16xi32>
        %jit3A_166 = arith.constant 5000 : i32
        %broadcast_in_dim3A_167 = vector.broadcast %jit3A_166 : i32 to vector<16xi32>
        %select_n3A_168 = arith.select %and3A_163, %sub3A_165, %broadcast_in_dim3A_167 : vector<16xi1>, vector<16xi32>
        %swap3A_169 = arith.constant 0 : i32
        %swap3A_170 = arith.index_cast %swap3A_169 : i32 to index
        %swap3A_171 = arith.constant 80 : index
        %swap3A_172 = tpu.vector_load %arg7[%swap3A_170, %swap3A_171] {strides = array<i32>} : memref<4x128xi32, #tpu.memory_space<vmem>>, vector<1x16xi32>,
        %swap3A_173 = vector.shape_cast %swap3A_172 : vector<1x16xi32> to vector<16xi32>
        %swap3A_174 = vector.shape_cast %select_n3A_168 : vector<16xi32> to vector<1x16xi32>
        tpu.vector_store %arg7[%swap3A_170, %swap3A_171], %swap3A_174 {strides = array<i32>} : memref<4x128xi32, #tpu.memory_space<vmem>>, vector<1x16xi32>,
        %get3A_175 = arith.constant 0 : i32
        %get3A_176 = arith.index_cast %get3A_175 : i32 to index
        %get3A_177 = arith.constant 96 : index
        %get3A_178 = tpu.vector_load %arg7[%get3A_176, %get3A_177] {strides = array<i32>} : memref<4x128xi32, #tpu.memory_space<vmem>>, vector<1x16xi32>,
        %get3A_179 = vector.shape_cast %get3A_178 : vector<1x16xi32> to vector<16xi32>
        %ge3A_180 = vector.broadcast %mul3A_0 : i32 to vector<16xi32>
        %ge3A_181 = arith.cmpi sge, %get3A_179, %ge3A_180 : vector<16xi32>
        %lt3A_182 = vector.broadcast %add3A_1 : i32 to vector<16xi32>
        %lt3A_183 = arith.cmpi slt, %get3A_179, %lt3A_182 : vector<16xi32>
        %and3A_184 = arith.andi %ge3A_181, %lt3A_183 : vector<16xi1>
        %sub3A_185 = vector.broadcast %mul3A_0 : i32 to vector<16xi32>
        %sub3A_186 = arith.subi %get3A_179, %sub3A_185 : vector<16xi32>
        %jit3A_187 = arith.constant 5000 : i32
        %broadcast_in_dim3A_188 = vector.broadcast %jit3A_187 : i32 to vector<16xi32>
        %select_n3A_189 = arith.select %and3A_184, %sub3A_186, %broadcast_in_dim3A_188 : vector<16xi1>, vector<16xi32>
        %swap3A_190 = arith.constant 0 : i32
        %swap3A_191 = arith.index_cast %swap3A_190 : i32 to index
        %swap3A_192 = arith.constant 96 : index
        %swap3A_193 = tpu.vector_load %arg7[%swap3A_191, %swap3A_192] {strides = array<i32>} : memref<4x128xi32, #tpu.memory_space<vmem>>, vector<1x16xi32>,
        %swap3A_194 = vector.shape_cast %swap3A_193 : vector<1x16xi32> to vector<16xi32>
        %swap3A_195 = vector.shape_cast %select_n3A_189 : vector<16xi32> to vector<1x16xi32>
        tpu.vector_store %arg7[%swap3A_191, %swap3A_192], %swap3A_195 {strides = array<i32>} : memref<4x128xi32, #tpu.memory_space<vmem>>, vector<1x16xi32>,
        %get3A_196 = arith.constant 0 : i32
        %get3A_197 = arith.index_cast %get3A_196 : i32 to index
        %get3A_198 = arith.constant 112 : index
        %get3A_199 = tpu.vector_load %arg7[%get3A_197, %get3A_198] {strides = array<i32>} : memref<4x128xi32, #tpu.memory_space<vmem>>, vector<1x16xi32>,
        %get3A_200 = vector.shape_cast %get3A_199 : vector<1x16xi32> to vector<16xi32>
        %ge3A_201 = vector.broadcast %mul3A_0 : i32 to vector<16xi32>
        %ge3A_202 = arith.cmpi sge, %get3A_200, %ge3A_201 : vector<16xi32>
        %lt3A_203 = vector.broadcast %add3A_1 : i32 to vector<16xi32>
        %lt3A_204 = arith.cmpi slt, %get3A_200, %lt3A_203 : vector<16xi32>
        %and3A_205 = arith.andi %ge3A_202, %lt3A_204 : vector<16xi1>
        %sub3A_206 = vector.broadcast %mul3A_0 : i32 to vector<16xi32>
        %sub3A_207 = arith.subi %get3A_200, %sub3A_206 : vector<16xi32>
        %jit3A_208 = arith.constant 5000 : i32
        %broadcast_in_dim3A_209 = vector.broadcast %jit3A_208 : i32 to vector<16xi32>
        %select_n3A_210 = arith.select %and3A_205, %sub3A_207, %broadcast_in_dim3A_209 : vector<16xi1>, vector<16xi32>
        %swap3A_211 = arith.constant 0 : i32
        %swap3A_212 = arith.index_cast %swap3A_211 : i32 to index
        %swap3A_213 = arith.constant 112 : index
        %swap3A_214 = tpu.vector_load %arg7[%swap3A_212, %swap3A_213] {strides = array<i32>} : memref<4x128xi32, #tpu.memory_space<vmem>>, vector<1x16xi32>,
        %swap3A_215 = vector.shape_cast %swap3A_214 : vector<1x16xi32> to vector<16xi32>
        %swap3A_216 = vector.shape_cast %select_n3A_210 : vector<16xi32> to vector<1x16xi32>
        tpu.vector_store %arg7[%swap3A_212, %swap3A_213], %swap3A_216 {strides = array<i32>} : memref<4x128xi32, #tpu.memory_space<vmem>>, vector<1x16xi32>,
        %get3A_217 = arith.constant 1 : i32
        %get3A_218 = arith.index_cast %get3A_217 : i32 to index
        %get3A_219 = arith.constant 0 : index
        %get3A_220 = tpu.vector_load %arg7[%get3A_218, %get3A_219] {strides = array<i32>} : memref<4x128xi32, #tpu.memory_space<vmem>>, vector<1x16xi32>,
        %get3A_221 = vector.shape_cast %get3A_220 : vector<1x16xi32> to vector<16xi32>
        %ge3A_222 = vector.broadcast %mul3A_0 : i32 to vector<16xi32>
        %ge3A_223 = arith.cmpi sge, %get3A_221, %ge3A_222 : vector<16xi32>
        %lt3A_224 = vector.broadcast %add3A_1 : i32 to vector<16xi32>
        %lt3A_225 = arith.cmpi slt, %get3A_221, %lt3A_224 : vector<16xi32>
        %and3A_226 = arith.andi %ge3A_223, %lt3A_225 : vector<16xi1>
        %sub3A_227 = vector.broadcast %mul3A_0 : i32 to vector<16xi32>
        %sub3A_228 = arith.subi %get3A_221, %sub3A_227 : vector<16xi32>
        %jit3A_229 = arith.constant 5000 : i32
        %broadcast_in_dim3A_230 = vector.broadcast %jit3A_229 : i32 to vector<16xi32>
        %select_n3A_231 = arith.select %and3A_226, %sub3A_228, %broadcast_in_dim3A_230 : vector<16xi1>, vector<16xi32>
        %swap3A_232 = arith.constant 1 : i32
        %swap3A_233 = arith.index_cast %swap3A_232 : i32 to index
        %swap3A_234 = arith.constant 0 : index
        %swap3A_235 = tpu.vector_load %arg7[%swap3A_233, %swap3A_234] {strides = array<i32>} : memref<4x128xi32, #tpu.memory_space<vmem>>, vector<1x16xi32>,
        %swap3A_236 = vector.shape_cast %swap3A_235 : vector<1x16xi32> to vector<16xi32>
        %swap3A_237 = vector.shape_cast %select_n3A_231 : vector<16xi32> to vector<1x16xi32>
        tpu.vector_store %arg7[%swap3A_233, %swap3A_234], %swap3A_237 {strides = array<i32>} : memref<4x128xi32, #tpu.memory_space<vmem>>, vector<1x16xi32>,
        %get3A_238 = arith.constant 1 : i32
        %get3A_239 = arith.index_cast %get3A_238 : i32 to index
        %get3A_240 = arith.constant 16 : index
        %get3A_241 = tpu.vector_load %arg7[%get3A_239, %get3A_240] {strides = array<i32>} : memref<4x128xi32, #tpu.memory_space<vmem>>, vector<1x16xi32>,
        %get3A_242 = vector.shape_cast %get3A_241 : vector<1x16xi32> to vector<16xi32>
        %ge3A_243 = vector.broadcast %mul3A_0 : i32 to vector<16xi32>
        %ge3A_244 = arith.cmpi sge, %get3A_242, %ge3A_243 : vector<16xi32>
        %lt3A_245 = vector.broadcast %add3A_1 : i32 to vector<16xi32>
        %lt3A_246 = arith.cmpi slt, %get3A_242, %lt3A_245 : vector<16xi32>
        %and3A_247 = arith.andi %ge3A_244, %lt3A_246 : vector<16xi1>
        %sub3A_248 = vector.broadcast %mul3A_0 : i32 to vector<16xi32>
        %sub3A_249 = arith.subi %get3A_242, %sub3A_248 : vector<16xi32>
        %jit3A_250 = arith.constant 5000 : i32
        %broadcast_in_dim3A_251 = vector.broadcast %jit3A_250 : i32 to vector<16xi32>
        %select_n3A_252 = arith.select %and3A_247, %sub3A_249, %broadcast_in_dim3A_251 : vector<16xi1>, vector<16xi32>
        %swap3A_253 = arith.constant 1 : i32
        %swap3A_254 = arith.index_cast %swap3A_253 : i32 to index
        %swap3A_255 = arith.constant 16 : index
        %swap3A_256 = tpu.vector_load %arg7[%swap3A_254, %swap3A_255] {strides = array<i32>} : memref<4x128xi32, #tpu.memory_space<vmem>>, vector<1x16xi32>,
        %swap3A_257 = vector.shape_cast %swap3A_256 : vector<1x16xi32> to vector<16xi32>
        %swap3A_258 = vector.shape_cast %select_n3A_252 : vector<16xi32> to vector<1x16xi32>
        tpu.vector_store %arg7[%swap3A_254, %swap3A_255], %swap3A_258 {strides = array<i32>} : memref<4x128xi32, #tpu.memory_space<vmem>>, vector<1x16xi32>,
        %get3A_259 = arith.constant 1 : i32
        %get3A_260 = arith.index_cast %get3A_259 : i32 to index
        %get3A_261 = arith.constant 32 : index
        %get3A_262 = tpu.vector_load %arg7[%get3A_260, %get3A_261] {strides = array<i32>} : memref<4x128xi32, #tpu.memory_space<vmem>>, vector<1x16xi32>,
        %get3A_263 = vector.shape_cast %get3A_262 : vector<1x16xi32> to vector<16xi32>
        %ge3A_264 = vector.broadcast %mul3A_0 : i32 to vector<16xi32>
        %ge3A_265 = arith.cmpi sge, %get3A_263, %ge3A_264 : vector<16xi32>
        %lt3A_266 = vector.broadcast %add3A_1 : i32 to vector<16xi32>
        %lt3A_267 = arith.cmpi slt, %get3A_263, %lt3A_266 : vector<16xi32>
        %and3A_268 = arith.andi %ge3A_265, %lt3A_267 : vector<16xi1>
        %sub3A_269 = vector.broadcast %mul3A_0 : i32 to vector<16xi32>
        %sub3A_270 = arith.subi %get3A_263, %sub3A_269 : vector<16xi32>
        %jit3A_271 = arith.constant 5000 : i32
        %broadcast_in_dim3A_272 = vector.broadcast %jit3A_271 : i32 to vector<16xi32>
        %select_n3A_273 = arith.select %and3A_268, %sub3A_270, %broadcast_in_dim3A_272 : vector<16xi1>, vector<16xi32>
        %swap3A_274 = arith.constant 1 : i32
        %swap3A_275 = arith.index_cast %swap3A_274 : i32 to index
        %swap3A_276 = arith.constant 32 : index
        %swap3A_277 = tpu.vector_load %arg7[%swap3A_275, %swap3A_276] {strides = array<i32>} : memref<4x128xi32, #tpu.memory_space<vmem>>, vector<1x16xi32>,
        %swap3A_278 = vector.shape_cast %swap3A_277 : vector<1x16xi32> to vector<16xi32>
        %swap3A_279 = vector.shape_cast %select_n3A_273 : vector<16xi32> to vector<1x16xi32>
        tpu.vector_store %arg7[%swap3A_275, %swap3A_276], %swap3A_279 {strides = array<i32>} : memref<4x128xi32, #tpu.memory_space<vmem>>, vector<1x16xi32>,
        %get3A_280 = arith.constant 1 : i32
        %get3A_281 = arith.index_cast %get3A_280 : i32 to index
        %get3A_282 = arith.constant 48 : index
        %get3A_283 = tpu.vector_load %arg7[%get3A_281, %get3A_282] {strides = array<i32>} : memref<4x128xi32, #tpu.memory_space<vmem>>, vector<1x16xi32>,
        %get3A_284 = vector.shape_cast %get3A_283 : vector<1x16xi32> to vector<16xi32>
        %ge3A_285 = vector.broadcast %mul3A_0 : i32 to vector<16xi32>
        %ge3A_286 = arith.cmpi sge, %get3A_284, %ge3A_285 : vector<16xi32>
        %lt3A_287 = vector.broadcast %add3A_1 : i32 to vector<16xi32>
        %lt3A_288 = arith.cmpi slt, %get3A_284, %lt3A_287 : vector<16xi32>
        %and3A_289 = arith.andi %ge3A_286, %lt3A_288 : vector<16xi1>
        %sub3A_290 = vector.broadcast %mul3A_0 : i32 to vector<16xi32>
        %sub3A_291 = arith.subi %get3A_284, %sub3A_290 : vector<16xi32>
        %jit3A_292 = arith.constant 5000 : i32
        %broadcast_in_dim3A_293 = vector.broadcast %jit3A_292 : i32 to vector<16xi32>
        %select_n3A_294 = arith.select %and3A_289, %sub3A_291, %broadcast_in_dim3A_293 : vector<16xi1>, vector<16xi32>
        %swap3A_295 = arith.constant 1 : i32
        %swap3A_296 = arith.index_cast %swap3A_295 : i32 to index
        %swap3A_297 = arith.constant 48 : index
        %swap3A_298 = tpu.vector_load %arg7[%swap3A_296, %swap3A_297] {strides = array<i32>} : memref<4x128xi32, #tpu.memory_space<vmem>>, vector<1x16xi32>,
        %swap3A_299 = vector.shape_cast %swap3A_298 : vector<1x16xi32> to vector<16xi32>
        %swap3A_300 = vector.shape_cast %select_n3A_294 : vector<16xi32> to vector<1x16xi32>
        tpu.vector_store %arg7[%swap3A_296, %swap3A_297], %swap3A_300 {strides = array<i32>} : memref<4x128xi32, #tpu.memory_space<vmem>>, vector<1x16xi32>,
        %get3A_301 = arith.constant 1 : i32
        %get3A_302 = arith.index_cast %get3A_301 : i32 to index
        %get3A_303 = arith.constant 64 : index
        %get3A_304 = tpu.vector_load %arg7[%get3A_302, %get3A_303] {strides = array<i32>} : memref<4x128xi32, #tpu.memory_space<vmem>>, vector<1x16xi32>,
        %get3A_305 = vector.shape_cast %get3A_304 : vector<1x16xi32> to vector<16xi32>
        %ge3A_306 = vector.broadcast %mul3A_0 : i32 to vector<16xi32>
        %ge3A_307 = arith.cmpi sge, %get3A_305, %ge3A_306 : vector<16xi32>
        %lt3A_308 = vector.broadcast %add3A_1 : i32 to vector<16xi32>
        %lt3A_309 = arith.cmpi slt, %get3A_305, %lt3A_308 : vector<16xi32>
        %and3A_310 = arith.andi %ge3A_307, %lt3A_309 : vector<16xi1>
        %sub3A_311 = vector.broadcast %mul3A_0 : i32 to vector<16xi32>
        %sub3A_312 = arith.subi %get3A_305, %sub3A_311 : vector<16xi32>
        %jit3A_313 = arith.constant 5000 : i32
        %broadcast_in_dim3A_314 = vector.broadcast %jit3A_313 : i32 to vector<16xi32>
        %select_n3A_315 = arith.select %and3A_310, %sub3A_312, %broadcast_in_dim3A_314 : vector<16xi1>, vector<16xi32>
        %swap3A_316 = arith.constant 1 : i32
        %swap3A_317 = arith.index_cast %swap3A_316 : i32 to index
        %swap3A_318 = arith.constant 64 : index
        %swap3A_319 = tpu.vector_load %arg7[%swap3A_317, %swap3A_318] {strides = array<i32>} : memref<4x128xi32, #tpu.memory_space<vmem>>, vector<1x16xi32>,
        %swap3A_320 = vector.shape_cast %swap3A_319 : vector<1x16xi32> to vector<16xi32>
        %swap3A_321 = vector.shape_cast %select_n3A_315 : vector<16xi32> to vector<1x16xi32>
        tpu.vector_store %arg7[%swap3A_317, %swap3A_318], %swap3A_321 {strides = array<i32>} : memref<4x128xi32, #tpu.memory_space<vmem>>, vector<1x16xi32>,
        %get3A_322 = arith.constant 1 : i32
        %get3A_323 = arith.index_cast %get3A_322 : i32 to index
        %get3A_324 = arith.constant 80 : index
        %get3A_325 = tpu.vector_load %arg7[%get3A_323, %get3A_324] {strides = array<i32>} : memref<4x128xi32, #tpu.memory_space<vmem>>, vector<1x16xi32>,
        %get3A_326 = vector.shape_cast %get3A_325 : vector<1x16xi32> to vector<16xi32>
        %ge3A_327 = vector.broadcast %mul3A_0 : i32 to vector<16xi32>
        %ge3A_328 = arith.cmpi sge, %get3A_326, %ge3A_327 : vector<16xi32>
        %lt3A_329 = vector.broadcast %add3A_1 : i32 to vector<16xi32>
        %lt3A_330 = arith.cmpi slt, %get3A_326, %lt3A_329 : vector<16xi32>
        %and3A_331 = arith.andi %ge3A_328, %lt3A_330 : vector<16xi1>
        %sub3A_332 = vector.broadcast %mul3A_0 : i32 to vector<16xi32>
        %sub3A_333 = arith.subi %get3A_326, %sub3A_332 : vector<16xi32>
        %jit3A_334 = arith.constant 5000 : i32
        %broadcast_in_dim3A_335 = vector.broadcast %jit3A_334 : i32 to vector<16xi32>
        %select_n3A_336 = arith.select %and3A_331, %sub3A_333, %broadcast_in_dim3A_335 : vector<16xi1>, vector<16xi32>
        %swap3A_337 = arith.constant 1 : i32
        %swap3A_338 = arith.index_cast %swap3A_337 : i32 to index
        %swap3A_339 = arith.constant 80 : index
        %swap3A_340 = tpu.vector_load %arg7[%swap3A_338, %swap3A_339] {strides = array<i32>} : memref<4x128xi32, #tpu.memory_space<vmem>>, vector<1x16xi32>,
        %swap3A_341 = vector.shape_cast %swap3A_340 : vector<1x16xi32> to vector<16xi32>
        %swap3A_342 = vector.shape_cast %select_n3A_336 : vector<16xi32> to vector<1x16xi32>
        tpu.vector_store %arg7[%swap3A_338, %swap3A_339], %swap3A_342 {strides = array<i32>} : memref<4x128xi32, #tpu.memory_space<vmem>>, vector<1x16xi32>,
        %get3A_343 = arith.constant 1 : i32
        %get3A_344 = arith.index_cast %get3A_343 : i32 to index
        %get3A_345 = arith.constant 96 : index
        %get3A_346 = tpu.vector_load %arg7[%get3A_344, %get3A_345] {strides = array<i32>} : memref<4x128xi32, #tpu.memory_space<vmem>>, vector<1x16xi32>,
        %get3A_347 = vector.shape_cast %get3A_346 : vector<1x16xi32> to vector<16xi32>
        %ge3A_348 = vector.broadcast %mul3A_0 : i32 to vector<16xi32>
        %ge3A_349 = arith.cmpi sge, %get3A_347, %ge3A_348 : vector<16xi32>
        %lt3A_350 = vector.broadcast %add3A_1 : i32 to vector<16xi32>
        %lt3A_351 = arith.cmpi slt, %get3A_347, %lt3A_350 : vector<16xi32>
        %and3A_352 = arith.andi %ge3A_349, %lt3A_351 : vector<16xi1>
        %sub3A_353 = vector.broadcast %mul3A_0 : i32 to vector<16xi32>
        %sub3A_354 = arith.subi %get3A_347, %sub3A_353 : vector<16xi32>
        %jit3A_355 = arith.constant 5000 : i32
        %broadcast_in_dim3A_356 = vector.broadcast %jit3A_355 : i32 to vector<16xi32>
        %select_n3A_357 = arith.select %and3A_352, %sub3A_354, %broadcast_in_dim3A_356 : vector<16xi1>, vector<16xi32>
        %swap3A_358 = arith.constant 1 : i32
        %swap3A_359 = arith.index_cast %swap3A_358 : i32 to index
        %swap3A_360 = arith.constant 96 : index
        %swap3A_361 = tpu.vector_load %arg7[%swap3A_359, %swap3A_360] {strides = array<i32>} : memref<4x128xi32, #tpu.memory_space<vmem>>, vector<1x16xi32>,
        %swap3A_362 = vector.shape_cast %swap3A_361 : vector<1x16xi32> to vector<16xi32>
        %swap3A_363 = vector.shape_cast %select_n3A_357 : vector<16xi32> to vector<1x16xi32>
        tpu.vector_store %arg7[%swap3A_359, %swap3A_360], %swap3A_363 {strides = array<i32>} : memref<4x128xi32, #tpu.memory_space<vmem>>, vector<1x16xi32>,
        %get3A_364 = arith.constant 1 : i32
        %get3A_365 = arith.index_cast %get3A_364 : i32 to index
        %get3A_366 = arith.constant 112 : index
        %get3A_367 = tpu.vector_load %arg7[%get3A_365, %get3A_366] {strides = array<i32>} : memref<4x128xi32, #tpu.memory_space<vmem>>, vector<1x16xi32>,
        %get3A_368 = vector.shape_cast %get3A_367 : vector<1x16xi32> to vector<16xi32>
        %ge3A_369 = vector.broadcast %mul3A_0 : i32 to vector<16xi32>
        %ge3A_370 = arith.cmpi sge, %get3A_368, %ge3A_369 : vector<16xi32>
        %lt3A_371 = vector.broadcast %add3A_1 : i32 to vector<16xi32>
        %lt3A_372 = arith.cmpi slt, %get3A_368, %lt3A_371 : vector<16xi32>
        %and3A_373 = arith.andi %ge3A_370, %lt3A_372 : vector<16xi1>
        %sub3A_374 = vector.broadcast %mul3A_0 : i32 to vector<16xi32>
        %sub3A_375 = arith.subi %get3A_368, %sub3A_374 : vector<16xi32>
        %jit3A_376 = arith.constant 5000 : i32
        %broadcast_in_dim3A_377 = vector.broadcast %jit3A_376 : i32 to vector<16xi32>
        %select_n3A_378 = arith.select %and3A_373, %sub3A_375, %broadcast_in_dim3A_377 : vector<16xi1>, vector<16xi32>
        %swap3A_379 = arith.constant 1 : i32
        %swap3A_380 = arith.index_cast %swap3A_379 : i32 to index
        %swap3A_381 = arith.constant 112 : index
        %swap3A_382 = tpu.vector_load %arg7[%swap3A_380, %swap3A_381] {strides = array<i32>} : memref<4x128xi32, #tpu.memory_space<vmem>>, vector<1x16xi32>,
        %swap3A_383 = vector.shape_cast %swap3A_382 : vector<1x16xi32> to vector<16xi32>
        %swap3A_384 = vector.shape_cast %select_n3A_378 : vector<16xi32> to vector<1x16xi32>
        tpu.vector_store %arg7[%swap3A_380, %swap3A_381], %swap3A_384 {strides = array<i32>} : memref<4x128xi32, #tpu.memory_space<vmem>>, vector<1x16xi32>,
        %get3A_385 = arith.constant 2 : i32
        %get3A_386 = arith.index_cast %get3A_385 : i32 to index
        %get3A_387 = arith.constant 0 : index
        %get3A_388 = tpu.vector_load %arg7[%get3A_386, %get3A_387] {strides = array<i32>} : memref<4x128xi32, #tpu.memory_space<vmem>>, vector<1x16xi32>,
        %get3A_389 = vector.shape_cast %get3A_388 : vector<1x16xi32> to vector<16xi32>
        %ge3A_390 = vector.broadcast %mul3A_0 : i32 to vector<16xi32>
        %ge3A_391 = arith.cmpi sge, %get3A_389, %ge3A_390 : vector<16xi32>
        %lt3A_392 = vector.broadcast %add3A_1 : i32 to vector<16xi32>
        %lt3A_393 = arith.cmpi slt, %get3A_389, %lt3A_392 : vector<16xi32>
        %and3A_394 = arith.andi %ge3A_391, %lt3A_393 : vector<16xi1>
        %sub3A_395 = vector.broadcast %mul3A_0 : i32 to vector<16xi32>
        %sub3A_396 = arith.subi %get3A_389, %sub3A_395 : vector<16xi32>
        %jit3A_397 = arith.constant 5000 : i32
        %broadcast_in_dim3A_398 = vector.broadcast %jit3A_397 : i32 to vector<16xi32>
        %select_n3A_399 = arith.select %and3A_394, %sub3A_396, %broadcast_in_dim3A_398 : vector<16xi1>, vector<16xi32>
        %swap3A_400 = arith.constant 2 : i32
        %swap3A_401 = arith.index_cast %swap3A_400 : i32 to index
        %swap3A_402 = arith.constant 0 : index
        %swap3A_403 = tpu.vector_load %arg7[%swap3A_401, %swap3A_402] {strides = array<i32>} : memref<4x128xi32, #tpu.memory_space<vmem>>, vector<1x16xi32>,
        %swap3A_404 = vector.shape_cast %swap3A_403 : vector<1x16xi32> to vector<16xi32>
        %swap3A_405 = vector.shape_cast %select_n3A_399 : vector<16xi32> to vector<1x16xi32>
        tpu.vector_store %arg7[%swap3A_401, %swap3A_402], %swap3A_405 {strides = array<i32>} : memref<4x128xi32, #tpu.memory_space<vmem>>, vector<1x16xi32>,
        %get3A_406 = arith.constant 2 : i32
        %get3A_407 = arith.index_cast %get3A_406 : i32 to index
        %get3A_408 = arith.constant 16 : index
        %get3A_409 = tpu.vector_load %arg7[%get3A_407, %get3A_408] {strides = array<i32>} : memref<4x128xi32, #tpu.memory_space<vmem>>, vector<1x16xi32>,
        %get3A_410 = vector.shape_cast %get3A_409 : vector<1x16xi32> to vector<16xi32>
        %ge3A_411 = vector.broadcast %mul3A_0 : i32 to vector<16xi32>
        %ge3A_412 = arith.cmpi sge, %get3A_410, %ge3A_411 : vector<16xi32>
        %lt3A_413 = vector.broadcast %add3A_1 : i32 to vector<16xi32>
        %lt3A_414 = arith.cmpi slt, %get3A_410, %lt3A_413 : vector<16xi32>
        %and3A_415 = arith.andi %ge3A_412, %lt3A_414 : vector<16xi1>
        %sub3A_416 = vector.broadcast %mul3A_0 : i32 to vector<16xi32>
        %sub3A_417 = arith.subi %get3A_410, %sub3A_416 : vector<16xi32>
        %jit3A_418 = arith.constant 5000 : i32
        %broadcast_in_dim3A_419 = vector.broadcast %jit3A_418 : i32 to vector<16xi32>
        %select_n3A_420 = arith.select %and3A_415, %sub3A_417, %broadcast_in_dim3A_419 : vector<16xi1>, vector<16xi32>
        %swap3A_421 = arith.constant 2 : i32
        %swap3A_422 = arith.index_cast %swap3A_421 : i32 to index
        %swap3A_423 = arith.constant 16 : index
        %swap3A_424 = tpu.vector_load %arg7[%swap3A_422, %swap3A_423] {strides = array<i32>} : memref<4x128xi32, #tpu.memory_space<vmem>>, vector<1x16xi32>,
        %swap3A_425 = vector.shape_cast %swap3A_424 : vector<1x16xi32> to vector<16xi32>
        %swap3A_426 = vector.shape_cast %select_n3A_420 : vector<16xi32> to vector<1x16xi32>
        tpu.vector_store %arg7[%swap3A_422, %swap3A_423], %swap3A_426 {strides = array<i32>} : memref<4x128xi32, #tpu.memory_space<vmem>>, vector<1x16xi32>,
        %get3A_427 = arith.constant 2 : i32
        %get3A_428 = arith.index_cast %get3A_427 : i32 to index
        %get3A_429 = arith.constant 32 : index
        %get3A_430 = tpu.vector_load %arg7[%get3A_428, %get3A_429] {strides = array<i32>} : memref<4x128xi32, #tpu.memory_space<vmem>>, vector<1x16xi32>,
        %get3A_431 = vector.shape_cast %get3A_430 : vector<1x16xi32> to vector<16xi32>
        %ge3A_432 = vector.broadcast %mul3A_0 : i32 to vector<16xi32>
        %ge3A_433 = arith.cmpi sge, %get3A_431, %ge3A_432 : vector<16xi32>
        %lt3A_434 = vector.broadcast %add3A_1 : i32 to vector<16xi32>
        %lt3A_435 = arith.cmpi slt, %get3A_431, %lt3A_434 : vector<16xi32>
        %and3A_436 = arith.andi %ge3A_433, %lt3A_435 : vector<16xi1>
        %sub3A_437 = vector.broadcast %mul3A_0 : i32 to vector<16xi32>
        %sub3A_438 = arith.subi %get3A_431, %sub3A_437 : vector<16xi32>
        %jit3A_439 = arith.constant 5000 : i32
        %broadcast_in_dim3A_440 = vector.broadcast %jit3A_439 : i32 to vector<16xi32>
        %select_n3A_441 = arith.select %and3A_436, %sub3A_438, %broadcast_in_dim3A_440 : vector<16xi1>, vector<16xi32>
        %swap3A_442 = arith.constant 2 : i32
        %swap3A_443 = arith.index_cast %swap3A_442 : i32 to index
        %swap3A_444 = arith.constant 32 : index
        %swap3A_445 = tpu.vector_load %arg7[%swap3A_443, %swap3A_444] {strides = array<i32>} : memref<4x128xi32, #tpu.memory_space<vmem>>, vector<1x16xi32>,
        %swap3A_446 = vector.shape_cast %swap3A_445 : vector<1x16xi32> to vector<16xi32>
        %swap3A_447 = vector.shape_cast %select_n3A_441 : vector<16xi32> to vector<1x16xi32>
        tpu.vector_store %arg7[%swap3A_443, %swap3A_444], %swap3A_447 {strides = array<i32>} : memref<4x128xi32, #tpu.memory_space<vmem>>, vector<1x16xi32>,
        %get3A_448 = arith.constant 2 : i32
        %get3A_449 = arith.index_cast %get3A_448 : i32 to index
        %get3A_450 = arith.constant 48 : index
        %get3A_451 = tpu.vector_load %arg7[%get3A_449, %get3A_450] {strides = array<i32>} : memref<4x128xi32, #tpu.memory_space<vmem>>, vector<1x16xi32>,
        %get3A_452 = vector.shape_cast %get3A_451 : vector<1x16xi32> to vector<16xi32>
        %ge3A_453 = vector.broadcast %mul3A_0 : i32 to vector<16xi32>
        %ge3A_454 = arith.cmpi sge, %get3A_452, %ge3A_453 : vector<16xi32>
        %lt3A_455 = vector.broadcast %add3A_1 : i32 to vector<16xi32>
        %lt3A_456 = arith.cmpi slt, %get3A_452, %lt3A_455 : vector<16xi32>
        %and3A_457 = arith.andi %ge3A_454, %lt3A_456 : vector<16xi1>
        %sub3A_458 = vector.broadcast %mul3A_0 : i32 to vector<16xi32>
        %sub3A_459 = arith.subi %get3A_452, %sub3A_458 : vector<16xi32>
        %jit3A_460 = arith.constant 5000 : i32
        %broadcast_in_dim3A_461 = vector.broadcast %jit3A_460 : i32 to vector<16xi32>
        %select_n3A_462 = arith.select %and3A_457, %sub3A_459, %broadcast_in_dim3A_461 : vector<16xi1>, vector<16xi32>
        %swap3A_463 = arith.constant 2 : i32
        %swap3A_464 = arith.index_cast %swap3A_463 : i32 to index
        %swap3A_465 = arith.constant 48 : index
        %swap3A_466 = tpu.vector_load %arg7[%swap3A_464, %swap3A_465] {strides = array<i32>} : memref<4x128xi32, #tpu.memory_space<vmem>>, vector<1x16xi32>,
        %swap3A_467 = vector.shape_cast %swap3A_466 : vector<1x16xi32> to vector<16xi32>
        %swap3A_468 = vector.shape_cast %select_n3A_462 : vector<16xi32> to vector<1x16xi32>
        tpu.vector_store %arg7[%swap3A_464, %swap3A_465], %swap3A_468 {strides = array<i32>} : memref<4x128xi32, #tpu.memory_space<vmem>>, vector<1x16xi32>,
        %get3A_469 = arith.constant 2 : i32
        %get3A_470 = arith.index_cast %get3A_469 : i32 to index
        %get3A_471 = arith.constant 64 : index
        %get3A_472 = tpu.vector_load %arg7[%get3A_470, %get3A_471] {strides = array<i32>} : memref<4x128xi32, #tpu.memory_space<vmem>>, vector<1x16xi32>,
        %get3A_473 = vector.shape_cast %get3A_472 : vector<1x16xi32> to vector<16xi32>
        %ge3A_474 = vector.broadcast %mul3A_0 : i32 to vector<16xi32>
        %ge3A_475 = arith.cmpi sge, %get3A_473, %ge3A_474 : vector<16xi32>
        %lt3A_476 = vector.broadcast %add3A_1 : i32 to vector<16xi32>
        %lt3A_477 = arith.cmpi slt, %get3A_473, %lt3A_476 : vector<16xi32>
        %and3A_478 = arith.andi %ge3A_475, %lt3A_477 : vector<16xi1>
        %sub3A_479 = vector.broadcast %mul3A_0 : i32 to vector<16xi32>
        %sub3A_480 = arith.subi %get3A_473, %sub3A_479 : vector<16xi32>
        %jit3A_481 = arith.constant 5000 : i32
        %broadcast_in_dim3A_482 = vector.broadcast %jit3A_481 : i32 to vector<16xi32>
        %select_n3A_483 = arith.select %and3A_478, %sub3A_480, %broadcast_in_dim3A_482 : vector<16xi1>, vector<16xi32>
        %swap3A_484 = arith.constant 2 : i32
        %swap3A_485 = arith.index_cast %swap3A_484 : i32 to index
        %swap3A_486 = arith.constant 64 : index
        %swap3A_487 = tpu.vector_load %arg7[%swap3A_485, %swap3A_486] {strides = array<i32>} : memref<4x128xi32, #tpu.memory_space<vmem>>, vector<1x16xi32>,
        %swap3A_488 = vector.shape_cast %swap3A_487 : vector<1x16xi32> to vector<16xi32>
        %swap3A_489 = vector.shape_cast %select_n3A_483 : vector<16xi32> to vector<1x16xi32>
        tpu.vector_store %arg7[%swap3A_485, %swap3A_486], %swap3A_489 {strides = array<i32>} : memref<4x128xi32, #tpu.memory_space<vmem>>, vector<1x16xi32>,
        %get3A_490 = arith.constant 2 : i32
        %get3A_491 = arith.index_cast %get3A_490 : i32 to index
        %get3A_492 = arith.constant 80 : index
        %get3A_493 = tpu.vector_load %arg7[%get3A_491, %get3A_492] {strides = array<i32>} : memref<4x128xi32, #tpu.memory_space<vmem>>, vector<1x16xi32>,
        %get3A_494 = vector.shape_cast %get3A_493 : vector<1x16xi32> to vector<16xi32>
        %ge3A_495 = vector.broadcast %mul3A_0 : i32 to vector<16xi32>
        %ge3A_496 = arith.cmpi sge, %get3A_494, %ge3A_495 : vector<16xi32>
        %lt3A_497 = vector.broadcast %add3A_1 : i32 to vector<16xi32>
        %lt3A_498 = arith.cmpi slt, %get3A_494, %lt3A_497 : vector<16xi32>
        %and3A_499 = arith.andi %ge3A_496, %lt3A_498 : vector<16xi1>
        %sub3A_500 = vector.broadcast %mul3A_0 : i32 to vector<16xi32>
        %sub3A_501 = arith.subi %get3A_494, %sub3A_500 : vector<16xi32>
        %jit3A_502 = arith.constant 5000 : i32
        %broadcast_in_dim3A_503 = vector.broadcast %jit3A_502 : i32 to vector<16xi32>
        %select_n3A_504 = arith.select %and3A_499, %sub3A_501, %broadcast_in_dim3A_503 : vector<16xi1>, vector<16xi32>
        %swap3A_505 = arith.constant 2 : i32
        %swap3A_506 = arith.index_cast %swap3A_505 : i32 to index
        %swap3A_507 = arith.constant 80 : index
        %swap3A_508 = tpu.vector_load %arg7[%swap3A_506, %swap3A_507] {strides = array<i32>} : memref<4x128xi32, #tpu.memory_space<vmem>>, vector<1x16xi32>,
        %swap3A_509 = vector.shape_cast %swap3A_508 : vector<1x16xi32> to vector<16xi32>
        %swap3A_510 = vector.shape_cast %select_n3A_504 : vector<16xi32> to vector<1x16xi32>
        tpu.vector_store %arg7[%swap3A_506, %swap3A_507], %swap3A_510 {strides = array<i32>} : memref<4x128xi32, #tpu.memory_space<vmem>>, vector<1x16xi32>,
        %get3A_511 = arith.constant 2 : i32
        %get3A_512 = arith.index_cast %get3A_511 : i32 to index
        %get3A_513 = arith.constant 96 : index
        %get3A_514 = tpu.vector_load %arg7[%get3A_512, %get3A_513] {strides = array<i32>} : memref<4x128xi32, #tpu.memory_space<vmem>>, vector<1x16xi32>,
        %get3A_515 = vector.shape_cast %get3A_514 : vector<1x16xi32> to vector<16xi32>
        %ge3A_516 = vector.broadcast %mul3A_0 : i32 to vector<16xi32>
        %ge3A_517 = arith.cmpi sge, %get3A_515, %ge3A_516 : vector<16xi32>
        %lt3A_518 = vector.broadcast %add3A_1 : i32 to vector<16xi32>
        %lt3A_519 = arith.cmpi slt, %get3A_515, %lt3A_518 : vector<16xi32>
        %and3A_520 = arith.andi %ge3A_517, %lt3A_519 : vector<16xi1>
        %sub3A_521 = vector.broadcast %mul3A_0 : i32 to vector<16xi32>
        %sub3A_522 = arith.subi %get3A_515, %sub3A_521 : vector<16xi32>
        %jit3A_523 = arith.constant 5000 : i32
        %broadcast_in_dim3A_524 = vector.broadcast %jit3A_523 : i32 to vector<16xi32>
        %select_n3A_525 = arith.select %and3A_520, %sub3A_522, %broadcast_in_dim3A_524 : vector<16xi1>, vector<16xi32>
        %swap3A_526 = arith.constant 2 : i32
        %swap3A_527 = arith.index_cast %swap3A_526 : i32 to index
        %swap3A_528 = arith.constant 96 : index
        %swap3A_529 = tpu.vector_load %arg7[%swap3A_527, %swap3A_528] {strides = array<i32>} : memref<4x128xi32, #tpu.memory_space<vmem>>, vector<1x16xi32>,
        %swap3A_530 = vector.shape_cast %swap3A_529 : vector<1x16xi32> to vector<16xi32>
        %swap3A_531 = vector.shape_cast %select_n3A_525 : vector<16xi32> to vector<1x16xi32>
        tpu.vector_store %arg7[%swap3A_527, %swap3A_528], %swap3A_531 {strides = array<i32>} : memref<4x128xi32, #tpu.memory_space<vmem>>, vector<1x16xi32>,
        %get3A_532 = arith.constant 2 : i32
        %get3A_533 = arith.index_cast %get3A_532 : i32 to index
        %get3A_534 = arith.constant 112 : index
        %get3A_535 = tpu.vector_load %arg7[%get3A_533, %get3A_534] {strides = array<i32>} : memref<4x128xi32, #tpu.memory_space<vmem>>, vector<1x16xi32>,
        %get3A_536 = vector.shape_cast %get3A_535 : vector<1x16xi32> to vector<16xi32>
        %ge3A_537 = vector.broadcast %mul3A_0 : i32 to vector<16xi32>
        %ge3A_538 = arith.cmpi sge, %get3A_536, %ge3A_537 : vector<16xi32>
        %lt3A_539 = vector.broadcast %add3A_1 : i32 to vector<16xi32>
        %lt3A_540 = arith.cmpi slt, %get3A_536, %lt3A_539 : vector<16xi32>
        %and3A_541 = arith.andi %ge3A_538, %lt3A_540 : vector<16xi1>
        %sub3A_542 = vector.broadcast %mul3A_0 : i32 to vector<16xi32>
        %sub3A_543 = arith.subi %get3A_536, %sub3A_542 : vector<16xi32>
        %jit3A_544 = arith.constant 5000 : i32
        %broadcast_in_dim3A_545 = vector.broadcast %jit3A_544 : i32 to vector<16xi32>
        %select_n3A_546 = arith.select %and3A_541, %sub3A_543, %broadcast_in_dim3A_545 : vector<16xi1>, vector<16xi32>
        %swap3A_547 = arith.constant 2 : i32
        %swap3A_548 = arith.index_cast %swap3A_547 : i32 to index
        %swap3A_549 = arith.constant 112 : index
        %swap3A_550 = tpu.vector_load %arg7[%swap3A_548, %swap3A_549] {strides = array<i32>} : memref<4x128xi32, #tpu.memory_space<vmem>>, vector<1x16xi32>,
        %swap3A_551 = vector.shape_cast %swap3A_550 : vector<1x16xi32> to vector<16xi32>
        %swap3A_552 = vector.shape_cast %select_n3A_546 : vector<16xi32> to vector<1x16xi32>
        tpu.vector_store %arg7[%swap3A_548, %swap3A_549], %swap3A_552 {strides = array<i32>} : memref<4x128xi32, #tpu.memory_space<vmem>>, vector<1x16xi32>,
        %get3A_553 = arith.constant 3 : i32
        %get3A_554 = arith.index_cast %get3A_553 : i32 to index
        %get3A_555 = arith.constant 0 : index
        %get3A_556 = tpu.vector_load %arg7[%get3A_554, %get3A_555] {strides = array<i32>} : memref<4x128xi32, #tpu.memory_space<vmem>>, vector<1x16xi32>,
        %get3A_557 = vector.shape_cast %get3A_556 : vector<1x16xi32> to vector<16xi32>
        %ge3A_558 = vector.broadcast %mul3A_0 : i32 to vector<16xi32>
        %ge3A_559 = arith.cmpi sge, %get3A_557, %ge3A_558 : vector<16xi32>
        %lt3A_560 = vector.broadcast %add3A_1 : i32 to vector<16xi32>
        %lt3A_561 = arith.cmpi slt, %get3A_557, %lt3A_560 : vector<16xi32>
        %and3A_562 = arith.andi %ge3A_559, %lt3A_561 : vector<16xi1>
        %sub3A_563 = vector.broadcast %mul3A_0 : i32 to vector<16xi32>
        %sub3A_564 = arith.subi %get3A_557, %sub3A_563 : vector<16xi32>
        %jit3A_565 = arith.constant 5000 : i32
        %broadcast_in_dim3A_566 = vector.broadcast %jit3A_565 : i32 to vector<16xi32>
        %select_n3A_567 = arith.select %and3A_562, %sub3A_564, %broadcast_in_dim3A_566 : vector<16xi1>, vector<16xi32>
        %swap3A_568 = arith.constant 3 : i32
        %swap3A_569 = arith.index_cast %swap3A_568 : i32 to index
        %swap3A_570 = arith.constant 0 : index
        %swap3A_571 = tpu.vector_load %arg7[%swap3A_569, %swap3A_570] {strides = array<i32>} : memref<4x128xi32, #tpu.memory_space<vmem>>, vector<1x16xi32>,
        %swap3A_572 = vector.shape_cast %swap3A_571 : vector<1x16xi32> to vector<16xi32>
        %swap3A_573 = vector.shape_cast %select_n3A_567 : vector<16xi32> to vector<1x16xi32>
        tpu.vector_store %arg7[%swap3A_569, %swap3A_570], %swap3A_573 {strides = array<i32>} : memref<4x128xi32, #tpu.memory_space<vmem>>, vector<1x16xi32>,
        %get3A_574 = arith.constant 3 : i32
        %get3A_575 = arith.index_cast %get3A_574 : i32 to index
        %get3A_576 = arith.constant 16 : index
        %get3A_577 = tpu.vector_load %arg7[%get3A_575, %get3A_576] {strides = array<i32>} : memref<4x128xi32, #tpu.memory_space<vmem>>, vector<1x16xi32>,
        %get3A_578 = vector.shape_cast %get3A_577 : vector<1x16xi32> to vector<16xi32>
        %ge3A_579 = vector.broadcast %mul3A_0 : i32 to vector<16xi32>
        %ge3A_580 = arith.cmpi sge, %get3A_578, %ge3A_579 : vector<16xi32>
        %lt3A_581 = vector.broadcast %add3A_1 : i32 to vector<16xi32>
        %lt3A_582 = arith.cmpi slt, %get3A_578, %lt3A_581 : vector<16xi32>
        %and3A_583 = arith.andi %ge3A_580, %lt3A_582 : vector<16xi1>
        %sub3A_584 = vector.broadcast %mul3A_0 : i32 to vector<16xi32>
        %sub3A_585 = arith.subi %get3A_578, %sub3A_584 : vector<16xi32>
        %jit3A_586 = arith.constant 5000 : i32
        %broadcast_in_dim3A_587 = vector.broadcast %jit3A_586 : i32 to vector<16xi32>
        %select_n3A_588 = arith.select %and3A_583, %sub3A_585, %broadcast_in_dim3A_587 : vector<16xi1>, vector<16xi32>
        %swap3A_589 = arith.constant 3 : i32
        %swap3A_590 = arith.index_cast %swap3A_589 : i32 to index
        %swap3A_591 = arith.constant 16 : index
        %swap3A_592 = tpu.vector_load %arg7[%swap3A_590, %swap3A_591] {strides = array<i32>} : memref<4x128xi32, #tpu.memory_space<vmem>>, vector<1x16xi32>,
        %swap3A_593 = vector.shape_cast %swap3A_592 : vector<1x16xi32> to vector<16xi32>
        %swap3A_594 = vector.shape_cast %select_n3A_588 : vector<16xi32> to vector<1x16xi32>
        tpu.vector_store %arg7[%swap3A_590, %swap3A_591], %swap3A_594 {strides = array<i32>} : memref<4x128xi32, #tpu.memory_space<vmem>>, vector<1x16xi32>,
        %get3A_595 = arith.constant 3 : i32
        %get3A_596 = arith.index_cast %get3A_595 : i32 to index
        %get3A_597 = arith.constant 32 : index
        %get3A_598 = tpu.vector_load %arg7[%get3A_596, %get3A_597] {strides = array<i32>} : memref<4x128xi32, #tpu.memory_space<vmem>>, vector<1x16xi32>,
        %get3A_599 = vector.shape_cast %get3A_598 : vector<1x16xi32> to vector<16xi32>
        %ge3A_600 = vector.broadcast %mul3A_0 : i32 to vector<16xi32>
        %ge3A_601 = arith.cmpi sge, %get3A_599, %ge3A_600 : vector<16xi32>
        %lt3A_602 = vector.broadcast %add3A_1 : i32 to vector<16xi32>
        %lt3A_603 = arith.cmpi slt, %get3A_599, %lt3A_602 : vector<16xi32>
        %and3A_604 = arith.andi %ge3A_601, %lt3A_603 : vector<16xi1>
        %sub3A_605 = vector.broadcast %mul3A_0 : i32 to vector<16xi32>
        %sub3A_606 = arith.subi %get3A_599, %sub3A_605 : vector<16xi32>
        %jit3A_607 = arith.constant 5000 : i32
        %broadcast_in_dim3A_608 = vector.broadcast %jit3A_607 : i32 to vector<16xi32>
        %select_n3A_609 = arith.select %and3A_604, %sub3A_606, %broadcast_in_dim3A_608 : vector<16xi1>, vector<16xi32>
        %swap3A_610 = arith.constant 3 : i32
        %swap3A_611 = arith.index_cast %swap3A_610 : i32 to index
        %swap3A_612 = arith.constant 32 : index
        %swap3A_613 = tpu.vector_load %arg7[%swap3A_611, %swap3A_612] {strides = array<i32>} : memref<4x128xi32, #tpu.memory_space<vmem>>, vector<1x16xi32>,
        %swap3A_614 = vector.shape_cast %swap3A_613 : vector<1x16xi32> to vector<16xi32>
        %swap3A_615 = vector.shape_cast %select_n3A_609 : vector<16xi32> to vector<1x16xi32>
        tpu.vector_store %arg7[%swap3A_611, %swap3A_612], %swap3A_615 {strides = array<i32>} : memref<4x128xi32, #tpu.memory_space<vmem>>, vector<1x16xi32>,
        %get3A_616 = arith.constant 3 : i32
        %get3A_617 = arith.index_cast %get3A_616 : i32 to index
        %get3A_618 = arith.constant 48 : index
        %get3A_619 = tpu.vector_load %arg7[%get3A_617, %get3A_618] {strides = array<i32>} : memref<4x128xi32, #tpu.memory_space<vmem>>, vector<1x16xi32>,
        %get3A_620 = vector.shape_cast %get3A_619 : vector<1x16xi32> to vector<16xi32>
        %ge3A_621 = vector.broadcast %mul3A_0 : i32 to vector<16xi32>
        %ge3A_622 = arith.cmpi sge, %get3A_620, %ge3A_621 : vector<16xi32>
        %lt3A_623 = vector.broadcast %add3A_1 : i32 to vector<16xi32>
        %lt3A_624 = arith.cmpi slt, %get3A_620, %lt3A_623 : vector<16xi32>
        %and3A_625 = arith.andi %ge3A_622, %lt3A_624 : vector<16xi1>
        %sub3A_626 = vector.broadcast %mul3A_0 : i32 to vector<16xi32>
        %sub3A_627 = arith.subi %get3A_620, %sub3A_626 : vector<16xi32>
        %jit3A_628 = arith.constant 5000 : i32
        %broadcast_in_dim3A_629 = vector.broadcast %jit3A_628 : i32 to vector<16xi32>
        %select_n3A_630 = arith.select %and3A_625, %sub3A_627, %broadcast_in_dim3A_629 : vector<16xi1>, vector<16xi32>
        %swap3A_631 = arith.constant 3 : i32
        %swap3A_632 = arith.index_cast %swap3A_631 : i32 to index
        %swap3A_633 = arith.constant 48 : index
        %swap3A_634 = tpu.vector_load %arg7[%swap3A_632, %swap3A_633] {strides = array<i32>} : memref<4x128xi32, #tpu.memory_space<vmem>>, vector<1x16xi32>,
        %swap3A_635 = vector.shape_cast %swap3A_634 : vector<1x16xi32> to vector<16xi32>
        %swap3A_636 = vector.shape_cast %select_n3A_630 : vector<16xi32> to vector<1x16xi32>
        tpu.vector_store %arg7[%swap3A_632, %swap3A_633], %swap3A_636 {strides = array<i32>} : memref<4x128xi32, #tpu.memory_space<vmem>>, vector<1x16xi32>,
        %get3A_637 = arith.constant 3 : i32
        %get3A_638 = arith.index_cast %get3A_637 : i32 to index
        %get3A_639 = arith.constant 64 : index
        %get3A_640 = tpu.vector_load %arg7[%get3A_638, %get3A_639] {strides = array<i32>} : memref<4x128xi32, #tpu.memory_space<vmem>>, vector<1x16xi32>,
        %get3A_641 = vector.shape_cast %get3A_640 : vector<1x16xi32> to vector<16xi32>
        %ge3A_642 = vector.broadcast %mul3A_0 : i32 to vector<16xi32>
        %ge3A_643 = arith.cmpi sge, %get3A_641, %ge3A_642 : vector<16xi32>
        %lt3A_644 = vector.broadcast %add3A_1 : i32 to vector<16xi32>
        %lt3A_645 = arith.cmpi slt, %get3A_641, %lt3A_644 : vector<16xi32>
        %and3A_646 = arith.andi %ge3A_643, %lt3A_645 : vector<16xi1>
        %sub3A_647 = vector.broadcast %mul3A_0 : i32 to vector<16xi32>
        %sub3A_648 = arith.subi %get3A_641, %sub3A_647 : vector<16xi32>
        %jit3A_649 = arith.constant 5000 : i32
        %broadcast_in_dim3A_650 = vector.broadcast %jit3A_649 : i32 to vector<16xi32>
        %select_n3A_651 = arith.select %and3A_646, %sub3A_648, %broadcast_in_dim3A_650 : vector<16xi1>, vector<16xi32>
        %swap3A_652 = arith.constant 3 : i32
        %swap3A_653 = arith.index_cast %swap3A_652 : i32 to index
        %swap3A_654 = arith.constant 64 : index
        %swap3A_655 = tpu.vector_load %arg7[%swap3A_653, %swap3A_654] {strides = array<i32>} : memref<4x128xi32, #tpu.memory_space<vmem>>, vector<1x16xi32>,
        %swap3A_656 = vector.shape_cast %swap3A_655 : vector<1x16xi32> to vector<16xi32>
        %swap3A_657 = vector.shape_cast %select_n3A_651 : vector<16xi32> to vector<1x16xi32>
        tpu.vector_store %arg7[%swap3A_653, %swap3A_654], %swap3A_657 {strides = array<i32>} : memref<4x128xi32, #tpu.memory_space<vmem>>, vector<1x16xi32>,
        %get3A_658 = arith.constant 3 : i32
        %get3A_659 = arith.index_cast %get3A_658 : i32 to index
        %get3A_660 = arith.constant 80 : index
        %get3A_661 = tpu.vector_load %arg7[%get3A_659, %get3A_660] {strides = array<i32>} : memref<4x128xi32, #tpu.memory_space<vmem>>, vector<1x16xi32>,
        %get3A_662 = vector.shape_cast %get3A_661 : vector<1x16xi32> to vector<16xi32>
        %ge3A_663 = vector.broadcast %mul3A_0 : i32 to vector<16xi32>
        %ge3A_664 = arith.cmpi sge, %get3A_662, %ge3A_663 : vector<16xi32>
        %lt3A_665 = vector.broadcast %add3A_1 : i32 to vector<16xi32>
        %lt3A_666 = arith.cmpi slt, %get3A_662, %lt3A_665 : vector<16xi32>
        %and3A_667 = arith.andi %ge3A_664, %lt3A_666 : vector<16xi1>
        %sub3A_668 = vector.broadcast %mul3A_0 : i32 to vector<16xi32>
        %sub3A_669 = arith.subi %get3A_662, %sub3A_668 : vector<16xi32>
        %jit3A_670 = arith.constant 5000 : i32
        %broadcast_in_dim3A_671 = vector.broadcast %jit3A_670 : i32 to vector<16xi32>
        %select_n3A_672 = arith.select %and3A_667, %sub3A_669, %broadcast_in_dim3A_671 : vector<16xi1>, vector<16xi32>
        %swap3A_673 = arith.constant 3 : i32
        %swap3A_674 = arith.index_cast %swap3A_673 : i32 to index
        %swap3A_675 = arith.constant 80 : index
        %swap3A_676 = tpu.vector_load %arg7[%swap3A_674, %swap3A_675] {strides = array<i32>} : memref<4x128xi32, #tpu.memory_space<vmem>>, vector<1x16xi32>,
        %swap3A_677 = vector.shape_cast %swap3A_676 : vector<1x16xi32> to vector<16xi32>
        %swap3A_678 = vector.shape_cast %select_n3A_672 : vector<16xi32> to vector<1x16xi32>
        tpu.vector_store %arg7[%swap3A_674, %swap3A_675], %swap3A_678 {strides = array<i32>} : memref<4x128xi32, #tpu.memory_space<vmem>>, vector<1x16xi32>,
        %get3A_679 = arith.constant 3 : i32
        %get3A_680 = arith.index_cast %get3A_679 : i32 to index
        %get3A_681 = arith.constant 96 : index
        %get3A_682 = tpu.vector_load %arg7[%get3A_680, %get3A_681] {strides = array<i32>} : memref<4x128xi32, #tpu.memory_space<vmem>>, vector<1x16xi32>,
        %get3A_683 = vector.shape_cast %get3A_682 : vector<1x16xi32> to vector<16xi32>
        %ge3A_684 = vector.broadcast %mul3A_0 : i32 to vector<16xi32>
        %ge3A_685 = arith.cmpi sge, %get3A_683, %ge3A_684 : vector<16xi32>
        %lt3A_686 = vector.broadcast %add3A_1 : i32 to vector<16xi32>
        %lt3A_687 = arith.cmpi slt, %get3A_683, %lt3A_686 : vector<16xi32>
        %and3A_688 = arith.andi %ge3A_685, %lt3A_687 : vector<16xi1>
        %sub3A_689 = vector.broadcast %mul3A_0 : i32 to vector<16xi32>
        %sub3A_690 = arith.subi %get3A_683, %sub3A_689 : vector<16xi32>
        %jit3A_691 = arith.constant 5000 : i32
        %broadcast_in_dim3A_692 = vector.broadcast %jit3A_691 : i32 to vector<16xi32>
        %select_n3A_693 = arith.select %and3A_688, %sub3A_690, %broadcast_in_dim3A_692 : vector<16xi1>, vector<16xi32>
        %swap3A_694 = arith.constant 3 : i32
        %swap3A_695 = arith.index_cast %swap3A_694 : i32 to index
        %swap3A_696 = arith.constant 96 : index
        %swap3A_697 = tpu.vector_load %arg7[%swap3A_695, %swap3A_696] {strides = array<i32>} : memref<4x128xi32, #tpu.memory_space<vmem>>, vector<1x16xi32>,
        %swap3A_698 = vector.shape_cast %swap3A_697 : vector<1x16xi32> to vector<16xi32>
        %swap3A_699 = vector.shape_cast %select_n3A_693 : vector<16xi32> to vector<1x16xi32>
        tpu.vector_store %arg7[%swap3A_695, %swap3A_696], %swap3A_699 {strides = array<i32>} : memref<4x128xi32, #tpu.memory_space<vmem>>, vector<1x16xi32>,
        %get3A_700 = arith.constant 3 : i32
        %get3A_701 = arith.index_cast %get3A_700 : i32 to index
        %get3A_702 = arith.constant 112 : index
        %get3A_703 = tpu.vector_load %arg7[%get3A_701, %get3A_702] {strides = array<i32>} : memref<4x128xi32, #tpu.memory_space<vmem>>, vector<1x16xi32>,
        %get3A_704 = vector.shape_cast %get3A_703 : vector<1x16xi32> to vector<16xi32>
        %ge3A_705 = vector.broadcast %mul3A_0 : i32 to vector<16xi32>
        %ge3A_706 = arith.cmpi sge, %get3A_704, %ge3A_705 : vector<16xi32>
        %lt3A_707 = vector.broadcast %add3A_1 : i32 to vector<16xi32>
        %lt3A_708 = arith.cmpi slt, %get3A_704, %lt3A_707 : vector<16xi32>
        %and3A_709 = arith.andi %ge3A_706, %lt3A_708 : vector<16xi1>
        %sub3A_710 = vector.broadcast %mul3A_0 : i32 to vector<16xi32>
        %sub3A_711 = arith.subi %get3A_704, %sub3A_710 : vector<16xi32>
        %jit3A_712 = arith.constant 5000 : i32
        %broadcast_in_dim3A_713 = vector.broadcast %jit3A_712 : i32 to vector<16xi32>
        %select_n3A_714 = arith.select %and3A_709, %sub3A_711, %broadcast_in_dim3A_713 : vector<16xi1>, vector<16xi32>
        %swap3A_715 = arith.constant 3 : i32
        %swap3A_716 = arith.index_cast %swap3A_715 : i32 to index
        %swap3A_717 = arith.constant 112 : index
        %swap3A_718 = tpu.vector_load %arg7[%swap3A_716, %swap3A_717] {strides = array<i32>} : memref<4x128xi32, #tpu.memory_space<vmem>>, vector<1x16xi32>,
        %swap3A_719 = vector.shape_cast %swap3A_718 : vector<1x16xi32> to vector<16xi32>
        %swap3A_720 = vector.shape_cast %select_n3A_714 : vector<16xi32> to vector<1x16xi32>
        tpu.vector_store %arg7[%swap3A_716, %swap3A_717], %swap3A_720 {strides = array<i32>} : memref<4x128xi32, #tpu.memory_space<vmem>>, vector<1x16xi32>,
        %run_scoped3A = arith.constant 0 : i32
        "tpu.region"() ({
          %run_scoped3A_724 = tpu.sem_alloc : memref<!tpu.dma_semaphore, #tpu.memory_space<semaphore_mem>>
          %dma_start3A = arith.constant 0 : i32
          %dma_start3A_725 = arith.constant 0 : i32
          %dma_start3A_726 = tpu.memref_slice %arg6[%dma_start3A, %dma_start3A_725] : memref<512x128xf32, #tpu.memory_space<vmem>> -> memref<128x128xf32, #tpu.memory_space<vmem>>
          %dma_start3A_727 = arith.constant 0 : i32
          %dma_start3A_728 = tpu.memref_slice %arg7[%run_scoped3A, %dma_start3A_727] : memref<4x128xi32, #tpu.memory_space<vmem>> -> memref<1x128xi32, #tpu.memory_space<vmem>>
          %dma_start3A_729 = tpu.memref_squeeze %dma_start3A_728 : memref<1x128xi32, #tpu.memory_space<vmem>> -> memref<128xi32, #tpu.memory_space<vmem>>
          %dma_start3A_730 = arith.constant 0 : i32
          %dma_start3A_731 = arith.constant 0 : i32
          %dma_start3A_732 = tpu.memref_slice %arg5[%dma_start3A_730, %dma_start3A_731] : memref<5120x128xf32, #tpu.memory_space<vmem_shared>> -> memref<5120x128xf32, #tpu.memory_space<vmem_shared>>
          tpu.enqueue_indirect_dma source(%dma_start3A_726 : memref<128x128xf32, #tpu.memory_space<vmem>>) target(%dma_start3A_732 : memref<5120x128xf32, #tpu.memory_space<vmem_shared>>) offsets(%dma_start3A_729 : memref<128xi32, #tpu.memory_space<vmem>>) semaphore(%run_scoped3A_724 : memref<!tpu.dma_semaphore, #tpu.memory_space<semaphore_mem>>) {add = true}
          %dma_wait3A = arith.constant 0 : i32
          %dma_wait3A_733 = arith.constant 0 : i32
          %dma_wait3A_734 = tpu.memref_slice %arg6[%dma_wait3A, %dma_wait3A_733] : memref<512x128xf32, #tpu.memory_space<vmem>> -> memref<128x128xf32, #tpu.memory_space<vmem>>
          %dma_wait3A_735 = arith.constant 0 : i32
          %dma_wait3A_736 = tpu.memref_slice %arg7[%run_scoped3A, %dma_wait3A_735] : memref<4x128xi32, #tpu.memory_space<vmem>> -> memref<1x128xi32, #tpu.memory_space<vmem>>
          %dma_wait3A_737 = tpu.memref_squeeze %dma_wait3A_736 : memref<1x128xi32, #tpu.memory_space<vmem>> -> memref<128xi32, #tpu.memory_space<vmem>>
          %dma_wait3A_738 = arith.constant 0 : i32
          %dma_wait3A_739 = arith.constant 0 : i32
          %dma_wait3A_740 = tpu.memref_slice %arg5[%dma_wait3A_738, %dma_wait3A_739] : memref<5120x128xf32, #tpu.memory_space<vmem_shared>> -> memref<5120x128xf32, #tpu.memory_space<vmem_shared>>
          tpu.wait_indirect_dma semaphore(%run_scoped3A_724 : memref<!tpu.dma_semaphore, #tpu.memory_space<semaphore_mem>>) src(%dma_wait3A_734 : memref<128x128xf32, #tpu.memory_space<vmem>>) dst(%dma_wait3A_740 : memref<5120x128xf32, #tpu.memory_space<vmem_shared>>)
          tpu.yield
        }) : () -> ()
        %run_scoped3A_721 = arith.constant 1 : i32
        "tpu.region"() ({
          %run_scoped3A_724 = tpu.sem_alloc : memref<!tpu.dma_semaphore, #tpu.memory_space<semaphore_mem>>
          %dma_start3A = arith.constant 128 : i32
          %dma_start3A_725 = arith.constant 0 : i32
          %dma_start3A_726 = tpu.memref_slice %arg6[%dma_start3A, %dma_start3A_725] : memref<512x128xf32, #tpu.memory_space<vmem>> -> memref<128x128xf32, #tpu.memory_space<vmem>>
          %dma_start3A_727 = arith.constant 0 : i32
          %dma_start3A_728 = tpu.memref_slice %arg7[%run_scoped3A_721, %dma_start3A_727] : memref<4x128xi32, #tpu.memory_space<vmem>> -> memref<1x128xi32, #tpu.memory_space<vmem>>
          %dma_start3A_729 = tpu.memref_squeeze %dma_start3A_728 : memref<1x128xi32, #tpu.memory_space<vmem>> -> memref<128xi32, #tpu.memory_space<vmem>>
          %dma_start3A_730 = arith.constant 0 : i32
          %dma_start3A_731 = arith.constant 0 : i32
          %dma_start3A_732 = tpu.memref_slice %arg5[%dma_start3A_730, %dma_start3A_731] : memref<5120x128xf32, #tpu.memory_space<vmem_shared>> -> memref<5120x128xf32, #tpu.memory_space<vmem_shared>>
          tpu.enqueue_indirect_dma source(%dma_start3A_726 : memref<128x128xf32, #tpu.memory_space<vmem>>) target(%dma_start3A_732 : memref<5120x128xf32, #tpu.memory_space<vmem_shared>>) offsets(%dma_start3A_729 : memref<128xi32, #tpu.memory_space<vmem>>) semaphore(%run_scoped3A_724 : memref<!tpu.dma_semaphore, #tpu.memory_space<semaphore_mem>>) {add = true}
          %dma_wait3A = arith.constant 128 : i32
          %dma_wait3A_733 = arith.constant 0 : i32
          %dma_wait3A_734 = tpu.memref_slice %arg6[%dma_wait3A, %dma_wait3A_733] : memref<512x128xf32, #tpu.memory_space<vmem>> -> memref<128x128xf32, #tpu.memory_space<vmem>>
          %dma_wait3A_735 = arith.constant 0 : i32
          %dma_wait3A_736 = tpu.memref_slice %arg7[%run_scoped3A_721, %dma_wait3A_735] : memref<4x128xi32, #tpu.memory_space<vmem>> -> memref<1x128xi32, #tpu.memory_space<vmem>>
          %dma_wait3A_737 = tpu.memref_squeeze %dma_wait3A_736 : memref<1x128xi32, #tpu.memory_space<vmem>> -> memref<128xi32, #tpu.memory_space<vmem>>
          %dma_wait3A_738 = arith.constant 0 : i32
          %dma_wait3A_739 = arith.constant 0 : i32
          %dma_wait3A_740 = tpu.memref_slice %arg5[%dma_wait3A_738, %dma_wait3A_739] : memref<5120x128xf32, #tpu.memory_space<vmem_shared>> -> memref<5120x128xf32, #tpu.memory_space<vmem_shared>>
          tpu.wait_indirect_dma semaphore(%run_scoped3A_724 : memref<!tpu.dma_semaphore, #tpu.memory_space<semaphore_mem>>) src(%dma_wait3A_734 : memref<128x128xf32, #tpu.memory_space<vmem>>) dst(%dma_wait3A_740 : memref<5120x128xf32, #tpu.memory_space<vmem_shared>>)
          tpu.yield
        }) : () -> ()
        %run_scoped3A_722 = arith.constant 2 : i32
        "tpu.region"() ({
          %run_scoped3A_724 = tpu.sem_alloc : memref<!tpu.dma_semaphore, #tpu.memory_space<semaphore_mem>>
          %dma_start3A = arith.constant 256 : i32
          %dma_start3A_725 = arith.constant 0 : i32
          %dma_start3A_726 = tpu.memref_slice %arg6[%dma_start3A, %dma_start3A_725] : memref<512x128xf32, #tpu.memory_space<vmem>> -> memref<128x128xf32, #tpu.memory_space<vmem>>
          %dma_start3A_727 = arith.constant 0 : i32
          %dma_start3A_728 = tpu.memref_slice %arg7[%run_scoped3A_722, %dma_start3A_727] : memref<4x128xi32, #tpu.memory_space<vmem>> -> memref<1x128xi32, #tpu.memory_space<vmem>>
          %dma_start3A_729 = tpu.memref_squeeze %dma_start3A_728 : memref<1x128xi32, #tpu.memory_space<vmem>> -> memref<128xi32, #tpu.memory_space<vmem>>
          %dma_start3A_730 = arith.constant 0 : i32
          %dma_start3A_731 = arith.constant 0 : i32
          %dma_start3A_732 = tpu.memref_slice %arg5[%dma_start3A_730, %dma_start3A_731] : memref<5120x128xf32, #tpu.memory_space<vmem_shared>> -> memref<5120x128xf32, #tpu.memory_space<vmem_shared>>
          tpu.enqueue_indirect_dma source(%dma_start3A_726 : memref<128x128xf32, #tpu.memory_space<vmem>>) target(%dma_start3A_732 : memref<5120x128xf32, #tpu.memory_space<vmem_shared>>) offsets(%dma_start3A_729 : memref<128xi32, #tpu.memory_space<vmem>>) semaphore(%run_scoped3A_724 : memref<!tpu.dma_semaphore, #tpu.memory_space<semaphore_mem>>) {add = true}
          %dma_wait3A = arith.constant 256 : i32
          %dma_wait3A_733 = arith.constant 0 : i32
          %dma_wait3A_734 = tpu.memref_slice %arg6[%dma_wait3A, %dma_wait3A_733] : memref<512x128xf32, #tpu.memory_space<vmem>> -> memref<128x128xf32, #tpu.memory_space<vmem>>
          %dma_wait3A_735 = arith.constant 0 : i32
          %dma_wait3A_736 = tpu.memref_slice %arg7[%run_scoped3A_722, %dma_wait3A_735] : memref<4x128xi32, #tpu.memory_space<vmem>> -> memref<1x128xi32, #tpu.memory_space<vmem>>
          %dma_wait3A_737 = tpu.memref_squeeze %dma_wait3A_736 : memref<1x128xi32, #tpu.memory_space<vmem>> -> memref<128xi32, #tpu.memory_space<vmem>>
          %dma_wait3A_738 = arith.constant 0 : i32
          %dma_wait3A_739 = arith.constant 0 : i32
          %dma_wait3A_740 = tpu.memref_slice %arg5[%dma_wait3A_738, %dma_wait3A_739] : memref<5120x128xf32, #tpu.memory_space<vmem_shared>> -> memref<5120x128xf32, #tpu.memory_space<vmem_shared>>
          tpu.wait_indirect_dma semaphore(%run_scoped3A_724 : memref<!tpu.dma_semaphore, #tpu.memory_space<semaphore_mem>>) src(%dma_wait3A_734 : memref<128x128xf32, #tpu.memory_space<vmem>>) dst(%dma_wait3A_740 : memref<5120x128xf32, #tpu.memory_space<vmem_shared>>)
          tpu.yield
        }) : () -> ()
        %run_scoped3A_723 = arith.constant 3 : i32
        "tpu.region"() ({
          %run_scoped3A_724 = tpu.sem_alloc : memref<!tpu.dma_semaphore, #tpu.memory_space<semaphore_mem>>
          %dma_start3A = arith.constant 384 : i32
          %dma_start3A_725 = arith.constant 0 : i32
          %dma_start3A_726 = tpu.memref_slice %arg6[%dma_start3A, %dma_start3A_725] : memref<512x128xf32, #tpu.memory_space<vmem>> -> memref<128x128xf32, #tpu.memory_space<vmem>>
          %dma_start3A_727 = arith.constant 0 : i32
          %dma_start3A_728 = tpu.memref_slice %arg7[%run_scoped3A_723, %dma_start3A_727] : memref<4x128xi32, #tpu.memory_space<vmem>> -> memref<1x128xi32, #tpu.memory_space<vmem>>
          %dma_start3A_729 = tpu.memref_squeeze %dma_start3A_728 : memref<1x128xi32, #tpu.memory_space<vmem>> -> memref<128xi32, #tpu.memory_space<vmem>>
          %dma_start3A_730 = arith.constant 0 : i32
          %dma_start3A_731 = arith.constant 0 : i32
          %dma_start3A_732 = tpu.memref_slice %arg5[%dma_start3A_730, %dma_start3A_731] : memref<5120x128xf32, #tpu.memory_space<vmem_shared>> -> memref<5120x128xf32, #tpu.memory_space<vmem_shared>>
          tpu.enqueue_indirect_dma source(%dma_start3A_726 : memref<128x128xf32, #tpu.memory_space<vmem>>) target(%dma_start3A_732 : memref<5120x128xf32, #tpu.memory_space<vmem_shared>>) offsets(%dma_start3A_729 : memref<128xi32, #tpu.memory_space<vmem>>) semaphore(%run_scoped3A_724 : memref<!tpu.dma_semaphore, #tpu.memory_space<semaphore_mem>>) {add = true}
          %dma_wait3A = arith.constant 384 : i32
          %dma_wait3A_733 = arith.constant 0 : i32
          %dma_wait3A_734 = tpu.memref_slice %arg6[%dma_wait3A, %dma_wait3A_733] : memref<512x128xf32, #tpu.memory_space<vmem>> -> memref<128x128xf32, #tpu.memory_space<vmem>>
          %dma_wait3A_735 = arith.constant 0 : i32
          %dma_wait3A_736 = tpu.memref_slice %arg7[%run_scoped3A_723, %dma_wait3A_735] : memref<4x128xi32, #tpu.memory_space<vmem>> -> memref<1x128xi32, #tpu.memory_space<vmem>>
          %dma_wait3A_737 = tpu.memref_squeeze %dma_wait3A_736 : memref<1x128xi32, #tpu.memory_space<vmem>> -> memref<128xi32, #tpu.memory_space<vmem>>
          %dma_wait3A_738 = arith.constant 0 : i32
          %dma_wait3A_739 = arith.constant 0 : i32
          %dma_wait3A_740 = tpu.memref_slice %arg5[%dma_wait3A_738, %dma_wait3A_739] : memref<5120x128xf32, #tpu.memory_space<vmem_shared>> -> memref<5120x128xf32, #tpu.memory_space<vmem_shared>>
          tpu.wait_indirect_dma semaphore(%run_scoped3A_724 : memref<!tpu.dma_semaphore, #tpu.memory_space<semaphore_mem>>) src(%dma_wait3A_734 : memref<128x128xf32, #tpu.memory_space<vmem>>) dst(%dma_wait3A_740 : memref<5120x128xf32, #tpu.memory_space<vmem_shared>>)
          tpu.yield
        }) : () -> ()
      } else {
      }
      %scan3A_52 = arith.constant 0 : i32
      scf.yield %scan3A_52 : i32
    }
    %scan3A_34 = arith.constant 40 : i32
    %barrier3A_35 = arith.constant 0 : index
    tpu.barrier barrier_id(%barrier3A_35)
    %mul3A_36 = arith.constant 312 : i32
    %mul3A_37 = arith.muli %arg1, %mul3A_36 : i32
    %mul3A_38 = arith.constant 312 : i32
    %mul3A_39 = arith.muli %arg1, %mul3A_38 : i32
    %add3A_40 = arith.addi %mul3A_0, %mul3A_39 : i32
    "tpu.region"() ({
      %run_scoped3A = tpu.sem_alloc : memref<!tpu.dma_semaphore, #tpu.memory_space<semaphore_mem>>
      %dma_start3A = arith.constant 0 : i32
      %dma_start3A_43 = tpu.memref_slice %arg4[%add3A_40, %dma_start3A] : memref<10000x128xf32, #tpu.memory_space<hbm>> -> memref<312x128xf32, #tpu.memory_space<hbm>>
      %dma_start3A_44 = arith.constant 0 : i32
      %dma_start3A_45 = tpu.memref_slice %arg5[%mul3A_37, %dma_start3A_44] : memref<5120x128xf32, #tpu.memory_space<vmem_shared>> -> memref<312x128xf32, #tpu.memory_space<vmem_shared>>
      tpu.enqueue_dma source(%dma_start3A_45 : memref<312x128xf32, #tpu.memory_space<vmem_shared>>) target(%dma_start3A_43 : memref<312x128xf32, #tpu.memory_space<hbm>>) target_semaphore(%run_scoped3A : memref<!tpu.dma_semaphore, #tpu.memory_space<semaphore_mem>>)
      %dma_wait3A = arith.constant 0 : i32
      %dma_wait3A_46 = tpu.memref_slice %arg4[%add3A_40, %dma_wait3A] : memref<10000x128xf32, #tpu.memory_space<hbm>> -> memref<312x128xf32, #tpu.memory_space<hbm>>
      %dma_wait3A_47 = arith.constant 0 : i32
      %dma_wait3A_48 = tpu.memref_slice %arg5[%mul3A_37, %dma_wait3A_47] : memref<5120x128xf32, #tpu.memory_space<vmem_shared>> -> memref<312x128xf32, #tpu.memory_space<vmem_shared>>
      tpu.wait_dma2 semaphore(%run_scoped3A : memref<!tpu.dma_semaphore, #tpu.memory_space<semaphore_mem>>) src(%dma_wait3A_48 : memref<312x128xf32, #tpu.memory_space<vmem_shared>>) dst(%dma_wait3A_46 : memref<312x128xf32, #tpu.memory_space<hbm>>)
      tpu.yield
    }) : () -> ()
    %eq3A = arith.constant 0 : i32
    %eq3A_41 = arith.cmpi eq, %arg1, %eq3A : i32
    %convert_element_type3A = arith.extui %eq3A_41 : i1 to i32
    %cond3A = arith.constant 0 : i32
    %cond3A_42 = arith.cmpi ne, %convert_element_type3A, %cond3A : i32
    scf.if %cond3A_42 {
      %add3A_43 = arith.constant 4992 : i32
      %add3A_44 = arith.addi %mul3A_0, %add3A_43 : i32
      "tpu.region"() ({
        %run_scoped3A = tpu.sem_alloc : memref<!tpu.dma_semaphore, #tpu.memory_space<semaphore_mem>>
        %dma_start3A = arith.constant 0 : i32
        %dma_start3A_45 = tpu.memref_slice %arg4[%add3A_44, %dma_start3A] : memref<10000x128xf32, #tpu.memory_space<hbm>> -> memref<8x128xf32, #tpu.memory_space<hbm>>
        %dma_start3A_46 = arith.constant 4992 : i32
        %dma_start3A_47 = arith.constant 0 : i32
        %dma_start3A_48 = tpu.memref_slice %arg5[%dma_start3A_46, %dma_start3A_47] : memref<5120x128xf32, #tpu.memory_space<vmem_shared>> -> memref<8x128xf32, #tpu.memory_space<vmem_shared>>
        tpu.enqueue_dma source(%dma_start3A_48 : memref<8x128xf32, #tpu.memory_space<vmem_shared>>) target(%dma_start3A_45 : memref<8x128xf32, #tpu.memory_space<hbm>>) target_semaphore(%run_scoped3A : memref<!tpu.dma_semaphore, #tpu.memory_space<semaphore_mem>>)
        %dma_wait3A = arith.constant 0 : i32
        %dma_wait3A_49 = tpu.memref_slice %arg4[%add3A_44, %dma_wait3A] : memref<10000x128xf32, #tpu.memory_space<hbm>> -> memref<8x128xf32, #tpu.memory_space<hbm>>
        %dma_wait3A_50 = arith.constant 4992 : i32
        %dma_wait3A_51 = arith.constant 0 : i32
        %dma_wait3A_52 = tpu.memref_slice %arg5[%dma_wait3A_50, %dma_wait3A_51] : memref<5120x128xf32, #tpu.memory_space<vmem_shared>> -> memref<8x128xf32, #tpu.memory_space<vmem_shared>>
        tpu.wait_dma2 semaphore(%run_scoped3A : memref<!tpu.dma_semaphore, #tpu.memory_space<semaphore_mem>>) src(%dma_wait3A_52 : memref<8x128xf32, #tpu.memory_space<vmem_shared>>) dst(%dma_wait3A_49 : memref<8x128xf32, #tpu.memory_space<hbm>>)
        tpu.yield
      }) : () -> ()
    } else {
    }
    return
  }
}

</mosaic_0001>

<sc_bundles>
// kernel: kernel.3.cloned.1.call-start
scs
__scs_entry_jumppad:
0x0: {  	(pc) =	sbr.rel $0x88, $3  }
0x1: {  	(tag) =	ssettag $0x0;
	lr =	simm.s32 $0x1  }
0x2: {  	[smem:$0x3F9F] =	sst lr;
	_ =	strace $0xD0000000  }
0x3: {  	_ = 	snop  }
0x4: {  	_ = 	snop  }
0x5: {  	_ = 	snop  }
0x6: {  	_ = 	snop  }
0x7: {  	_ = 	snop  }
__scs_overlays_trampoline_lowered:
0x8: {  	[smem:$0x3FAE] =	sst s0  }
0x9: {  	[smem:$0x3FAF] =	sst s1  }
0xa: {  	[smem:$0x3FB0] =	sst s2  }
0xb: {  	[smem:$0x3FB1] =	sst s3  }
0xc: {  	[smem:$0x3FB2] =	sst s4  }
0xd: {  	[smem:$0x3FB3] =	sst s5  }
0xe: {  	[smem:$0x3FB4] =	sst s6  }
0xf: {  	[smem:$0x3FB5] =	sst s7  }
0x10: {  	[smem:$0x3FB6] =	sst s8  }
0x11: {  	[smem:$0x3FB7] =	sst s9;
	s0 =	simm.s32 @!p0 $0x0  }
0x12: {  	s1 =	sld [smem:$0x3F9D];
	s0 =	simm.s32 @p0 $0x1  }
0x13: {  	[smem:$0x3FB8] =	sst s0;
	s0 =	simm.s32 @!p1 $0x0  }
0x14: {  	s2 =	sld [smem:$0x3F9C];
	s0 =	simm.s32 @p1 $0x1  }
0x15: {  	[smem:$0x3FB9] =	sst s0;
	s0 =	simm.s32 @!p2 $0x0  }
0x16: {  	s3 =	sld [smem:$0x3FDB];
	s0 =	simm.s32 @p2 $0x1  }
0x17: {  	s4 =	simm.s32 $0x1BF5;
	[smem:$0x3FBB] =	sst s0  }
0x18: {  	s0 =	sld [smem:$0x3F9E];
	_ =	swait.ge [sflag:s4], $0x0  }
0x19: {  	s7 =	sld [smem:$0x3F9F]  }
0x1a: {  	s8 =	sadd.s32 $0xFFFFE003, lr  }
0x1b: {  	s9 =	sadd.s32 $0xFFFFFEF7, lr;
	s5 =	simm.s32 $0xFFFFFFFF;
	p2 =	slt.u32 s8, $0xFFFFF086  }
0x1c: {  	p1 =	slt.u32 s9, $0xF7A;
	s5 =	simm.s32 @!p2 $0x0  }
0x1d: {  	s5 =	simm.s32 @p1 $0x1;
	p0 =	seq.s32 s7, s2  }
0x1e: {  	s7 =	smul.u32 @!p0 $0xF7A, s2;
	p2 =	seq.s32 @!p0 s5, $0x0  }
0x1f: {  	s9 =	smul.u32 $0xF7A, s1;
	s8 =	simm.s32 @!p0 $0x1BF5;
	p2 =	por !p2, p0  }
0x20: {  	[sflag:s8] =	ssyncset.s32 @!p0 $0xFFFFF086;
	s6 =	sadd.s32 @!p0 s3, s7;
	s7 =	simm.s32 @!p0 $0x108  }
0x21: {  	s3 =	sadd.s32 s3, s9;
	s6 =	sadd.s32 @!p0 $0x88, s6;
	s7 =	simm.s32 @p2 $0x1082  }
0x22: {  	[simem:s7], [sflag:s8] =	dma.local @!p0 [hbm:s6], $0xF7A  }
0x23: {  	s9 =	sor.u32 $0xD0000000, s2;
	s6 =	simm.s32 $0x108;
	_ =	swait.ge @!p0 [sflag:s8], $0x0  }
0x24: {  	s3 =	sadd.s32 $0x88, s3;
	s6 =	simm.s32 @!p1 $0x1082;
	[sflag:s4] =	ssyncset.s32 $0xFFFFF086  }
0x25: {  	[simem:s6], [sflag:s4] =	dma.local [hbm:s3], $0xF7A  }
0x26: {  	[smem:$0x3F9F] =	sst s1;
	(tag) =	ssettag s2;
	_ =	strace s9  }
0x27: {  	s1 =	sld [smem:$0x3FAF]  }
0x28: {  	s2 =	sld [smem:$0x3FB0]  }
0x29: {  	s4 =	sld [smem:$0x3FB2]  }
0x2a: {  	p0 =	seq.s32 s5, $0x0;
	s5 =	sld [smem:$0x3FB3]  }
0x2b: {  	s6 =	sld [smem:$0x3FB4]  }
0x2c: {  	s7 =	sld [smem:$0x3FB5]  }
0x2d: {  	s3 =	simm.s32 $0x108;
	s8 =	sld [smem:$0x3FB6]  }
0x2e: {  	s3 =	simm.s32 @!p0 $0x1082;
	s9 =	sld [smem:$0x3FB7]  }
0x2f: {  	lr =	sadd.s32 s0, s3;
	s0 =	sld [smem:$0x3FAE]  }
0x30: {  	s3 =	sld [smem:$0x3FB1]  }
0x31: {  	[smem:$0x3FBA] =	sst s10  }
0x32: {  	s10 =	sld [smem:$0x3FB8];
	_ =	sdelay $0x3  }
0x33: {  	p0 =	seq.s32 s10, $0x1;
	s10 =	sld [smem:$0x3FBA];
	_ =	sdelay $0x3  }
0x34: {  	[smem:$0x3FBA] =	sst s10  }
0x35: {  	s10 =	sld [smem:$0x3FB9];
	_ =	sdelay $0x3  }
0x36: {  	p1 =	seq.s32 s10, $0x1;
	s10 =	sld [smem:$0x3FBA];
	_ =	sdelay $0x3  }
0x37: {  	[smem:$0x3FBA] =	sst s10  }
0x38: {  	s10 =	sld [smem:$0x3FBB]  }
0x39: {  	_ = 	snop;
	(pc) =	sbr.ind lr, $3  }
0x3a: {  	_ = 	snop  }
0x3b: {  	_ = 	snop  }
0x3c: {  	p2 =	seq.s32 s10, $0x1;
	s10 =	sld [smem:$0x3FBA]  }
0x3d: {  	_ =	shalt  }
0x3e: {  	_ =	shalt  }
0x3f: {  	_ =	shalt  }
0x40: {  	_ =	shalt  }
0x41: {  	_ =	shalt  }
0x42: {  	_ =	shalt  }
0x43: {  	_ =	shalt  }
0x44: {  	_ =	shalt  }
0x45: {  	_ =	shalt  }
0x46: {  	_ =	shalt  }
0x47: {  	_ =	shalt  }
0x48: {  	_ =	shalt  }
0x49: {  	_ =	shalt  }
0x4a: {  	_ =	shalt  }
0x4b: {  	_ =	shalt  }
0x4c: {  	_ =	shalt  }
0x4d: {  	_ =	shalt  }
0x4e: {  	_ =	shalt  }
0x4f: {  	_ =	shalt  }
0x50: {  	_ =	shalt  }
0x51: {  	_ =	shalt  }
0x52: {  	_ =	shalt  }
0x53: {  	_ =	shalt  }
0x54: {  	_ =	shalt  }
0x55: {  	_ =	shalt  }
0x56: {  	_ =	shalt  }
0x57: {  	_ =	shalt  }
0x58: {  	_ =	shalt  }
0x59: {  	_ =	shalt  }
0x5a: {  	_ =	shalt  }
0x5b: {  	_ =	shalt  }
0x5c: {  	_ =	shalt  }
0x5d: {  	_ =	shalt  }
0x5e: {  	_ =	shalt  }
0x5f: {  	_ =	shalt  }
0x60: {  	_ =	shalt  }
0x61: {  	_ =	shalt  }
0x62: {  	_ =	shalt  }
0x63: {  	_ =	shalt  }
0x64: {  	_ =	shalt  }
0x65: {  	_ =	shalt  }
0x66: {  	_ =	shalt  }
0x67: {  	_ =	shalt  }
0x68: {  	_ =	shalt  }
0x69: {  	_ =	shalt  }
0x6a: {  	_ =	shalt  }
0x6b: {  	_ =	shalt  }
0x6c: {  	_ =	shalt  }
0x6d: {  	_ =	shalt  }
0x6e: {  	_ =	shalt  }
0x6f: {  	_ =	shalt  }
0x70: {  	_ =	shalt  }
0x71: {  	_ =	shalt  }
0x72: {  	_ =	shalt  }
0x73: {  	_ =	shalt  }
0x74: {  	_ =	shalt  }
0x75: {  	_ =	shalt  }
0x76: {  	_ =	shalt  }
0x77: {  	_ =	shalt  }
0x78: {  	_ =	shalt  }
0x79: {  	_ =	shalt  }
0x7a: {  	_ =	shalt  }
0x7b: {  	_ =	shalt  }
0x7c: {  	_ =	shalt  }
0x7d: {  	_ =	shalt  }
0x7e: {  	_ =	shalt  }
0x7f: {  	_ =	shalt  }
0x80: {  	_ =	shalt  }
0x81: {  	_ =	shalt  }
0x82: {  	_ =	shalt  }
0x83: {  	_ =	shalt  }
0x84: {  	_ =	shalt  }
0x85: {  	_ =	shalt  }
0x86: {  	_ =	shalt  }
0x87: {  	_ =	shalt  }
.Lfunc_end0:
.L_simem_size_0:
called_computation_lowered:
.L_overlay_start_0:
0x88: {  	s2 =	sld [smem:$0x3FD9]  }
0x89: {  	s3 =	sld [smem:$0x3FFE];
	_ =	sdelay $0x1  }
0x8a: {  	s1 =	srdreg.scid  }
0x8b: {  	s0 =	sand.u32 $0x1, s1  }
0x8c: {  	s18 =	sshll.u32 s0, $0xA;
	s2 =	sadd.s32 s3, s2  }
0x8d: {  	s2 =	sadd.s32 s2, s18  }
0x8e: {  	[smem:$0x3FC6] =	sst s2  }
0x8f: {  	_ = 	snop  }
0x90: {  	s2 =	sld [smem:$0x3FC9]  }
0x91: {  	s19 =	sld [smem:$0x3FC8]  }
0x92: {  	s4 =	sld [smem:$0x3FD0];
	(tm) =	ssettm $0x1  }
0x93: {  	s5 =	sld [smem:$0x3FFB];
	_ =	sdelay $0x3  }
0x94: {  	_ =	strace s5  }
0x95: {  	s5 =	sld [smem:$0x3FFC];
	_ =	sdelay $0x3  }
0x96: {  	_ =	strace s5  }
0x97: {  	s5 =	sld [smem:$0x3FFD];
	_ =	sdelay $0x3  }
0x98: {  	_ =	strace s5  }
0x99: {  	_ =	strace $0x8FFFFFFF  }
0x9a: {  	s20 =	sld [smem:$0x3FDB];
	_ =	sdelay $0x1  }
0x9b: {  	s6 =	simm.s32 $_scs_section_size  }
0x9c: {  	s7 =	simm.s32 $_size__tile_overlayer_lowered;
	s8 =	simm.s32 $_tile_overlayer_lowered  }
0x9d: {  	s23 =	simm.s32 $0x1BFF;
	s22 =	sshll.u32 s8, $0x1;
	s5 =	sadd.s32 s6, s20  }
0x9e: {  	s9 =	simm.s32 $0x0;
	s21 =	sshll.u32 s7, $0x1;
	s7 =	sadd.s32 s22, s5  }
0x9f: {  	[timem:s9], [sflag:s23] =	dma.local [hbm:s7], s21  }
0xa0: {  	_ =	swait.ge [sflag:s23], s21  }
0xa1: {  	s6 =	ssub.s32 $0x0, s21;
	[sflag:s23] =	ssyncset.done $0x0  }
0xa2: {  	[sflag:s23] =	ssyncadd.s32 s6;
	_ =	sdelay $0x1  }
0xa3: {  	s24 =	simm.s32 $0x1B8B  }
0xa4: {  	_ =	swait.ge [sflag:s24], $0x1  }
0xa5: {  	[sflag:s24] =	ssyncset.done $0x0  }
0xa6: {  	s25 =	simm.s32 $0x1B8E;
	[sflag:s24] =	ssyncadd.s32 $0xFFFFFFFF  }
0xa7: {  	s26 =	simm.s32 $execute0_lowered;
	[smem:$0x3FD2] =	sst s25  }
0xa8: {  	s6 =	sshll.u32 s26, $0x1;
	_ =	strace $0x80000046;
	[dreg:$0x1] =	wrdreg $0xFFFFFFFF  }
0xa9: {  	s28 =	simm.s32 $_size_execute0_lowered;
	s5 =	sadd.s32 s5, s6;
	[dreg:$0x0] =	wrdreg $0x0  }
0xaa: {  	s6 =	sshll.u32 s28, $0x1;
	[dreg:$0x2] =	wrdreg s5  }
0xab: {  	[dreg:$0x3] =	wrdreg s6  }
0xac: {  	[dreg:$0x4] =	wrdreg $0xC0  }
0xad: {  	_ =	task [dreg:s9], $0x5FFFF  }
0xae: {  	[dreg:$0x1] =	wrdreg $0xFFFFFFFF  }
0xaf: {  	[dreg:$0x0] =	wrdreg $0x60  }
0xb0: {  	[dreg:$0x2] =	wrdreg s2  }
0xb1: {  	[dreg:$0x3] =	wrdreg s19  }
0xb2: {  	[dreg:$0x4] =	wrdreg s4  }
0xb3: {  	[dreg:$0x5] =	wrdreg $0x0  }
0xb4: {  	[dreg:$0x6] =	wrdreg $0x9  }
0xb5: {  	_ =	task.clear_ibuf [dreg:s9], $0x7FFFF;
	_ =	strace $0x90000046  }
0xb6: {  	s29 =	simm.s32 $0x9;
	_ =	strace $0x80000048  }
0xb7: {  	_ =	swait.ge [sflag:s29], $0x1  }
0xb8: {  	[sflag:s29] =	ssyncadd.s32 $0xFFFFFFFF  }
0xb9: {  	_ =	strace $0x90000048  }
0xba: {  	_ =	sfence  }
0xbb: {  	s30 =	sld [smem:$0x0];
	_ =	sdelay $0x2  }
0xbc: {  	s31 =	sshll.u32 s1, $0xD;
	s1 =	sshrl.u32 s1, $0x2  }
0xbd: {  	s3 =	sand.u32 $0x4000, s31;
	s1 =	sadd.s32 s1, s30  }
0xbe: {  	s0 =	sor.u32 s3, s0;
	s1 =	sshll.u32 s1, $0x11  }
0xbf: {  	s0 =	sor.u32 s1, s0  }
0xc0: {  	s0 =	sadd.s32 $0x8F2B, s0  }
0xc1: {  	[sflag:s0] =	ssyncadd.remote.s32 $0x1  }
0xc2: {  	_ =	sfence.sel $0xFFFF  }
0xc3: {  	[dreg:$0x0] =	wrdreg $0xFFFFFFFF;
	(pc) =	sbr.abs _section_cstart, $3  }
0xc4: {  	[dreg:$0x1] =	wrdreg $0xFFFFFFFF  }
0xc5: {  	_ =	task.clear_ibuf [dreg:s9], $0x2FFFF;
	_ =	strace $0x9FFFFFFF  }
0xc6: {  	(tm) =	ssettm $0x7FFFFFFF  }
0xc7: {  	_ =	shalt  }
tec
execute0_lowered:
.L_overlay_start_1:
0x0: {  	(tag) =	ssettag $0x1  }
0x1: {  	s0 =	rddreg [dreg:$0x0]  }
0x2: {  	s5 =	rddreg [dreg:$0x1]  }
0x3: {  	s11 =	rddreg [dreg:$0x2]  }
0x4: {  	s1 =	rddreg [dreg:$0x3]  }
0x5: {  	s3 =	srdreg.scid;
	s2 =	stileid.u32;
	s18 =	simm.s32 $0x2  }
0x6: {  	s19 =	simm.s32 $0x1A000;
	s20 =	simm.s32 $0x80;
	s21 =	simm.s32 $0x1A080  }
0x7: {  	s28 =	simm.s32 $0x1A180;
	s29 =	simm.s32 $0x16000;
	s6 =	smul.u32 $0x28000, s2  }
0x8: {  	s30 =	simm.s32 $0x0;
	s9 =	sand.u32 $0x1, s3;
	s10 =	smul.u32 $0x27000, s2  }
0x9: {  	s3 =	simm.s32 $0x0;
	s15 =	smul.u32 $0x138, s2;
	s8 =	sshll.u32 s2, $0x6  }
0xa: {  	s31 =	sshll.u32 s2, $0xD;
	p0 =	sne.s32 s2, $0x0;
	s13 =	smul.u32 $0x1388, s9  }
0xb: {  	s4 =	ssub.s32 $0x2, s9;
	[smem:$0x7FF] =	sst s3;
	s16 =	smul.u32 $0x9C400, s9  }
0xc: {  	s17 =	sand.u32 $0x40, s8;
	s26 =	sand.u32 $0x380, s8;
	s7 =	sshrl.u32 s4, $0x1  }
0xd: {  	_ =	strace $0x80000047;
	s23 =	sshrl.u32 s6, $0x2;
	s10 =	sshrl.u32 s10, $0x2  }
0xe: {  	s12 =	ssub.s32 s4, s7;
	s14 =	sadd.s32 $0x1388, s13;
	s4 =	sadd.s32 s23, s1  }
0xf: {  	s15 =	sadd.s32 s15, s13;
	s16 =	sshrl.u32 s16, $0x3;
	s22 =	sadd.s32 s10, s1  }
0x10: {  	s23 =	sadd.s32 $0x9C000, s1;
	s24 =	sadd.s32 $0x2000, s4;
	s25 =	sadd.s32 $0x4000, s4  }
0x11: {  	s7 =	sadd.s32 $0x6000, s4;
	s9 =	sadd.s32 $0x8000, s4;
	s15 =	sshll.u32 s15, $0x4  }
0x12: {  	s12 =	smax.u32 s12, $0x1;
	s22 =	sshrl.u32 s22, $0x3;
	[dreg:$0x5] =	wrdreg s24  }
.Ltmp0:
0x13: {  	s23 =	sshrl.u32 @!p0 s23, $0x3;
	[dreg:$0x6] =	wrdreg s25;
	(pc) =	sbr.rel .LBB2_1-.Ltmp0, $4  }
0x14: {  	s10 =	sadd.s32 s11, s15;
	s11 =	sadd.s32 s11, s16;
	s15 =	sadd.s32 s26, s5  }
0x15: {  	s5 =	sadd.s32 s31, s0;
	s16 =	simm.s32 $0x1;
	s24 =	simm.s32 $0xE000  }
0x16: {  	s25 =	simm.s32 $0x1A100;
	s26 =	simm.s32 $0x12000;
	s11 =	sadd.s32 $0x13800, s11  }
0x17: {  	v2 =	vimm.f32 $0.0e+00;
	v0 =	vmov s13;
	v1 =	vmov s14;
	s0 =	sadd.s32 s17, s15;
	s15 =	simm.s32 $0x1A200;
	s17 =	simm.s32 $0xA000  }
.LBB2_7:
0x18: {  	[bflag:$0x0] =	sbarrier.arrive $0xFFFF;
	s6 =	sor.u32 $0x1C01, s8  }
0x19: {  	[hbm:s10], [sflag:s6] =	dma.local [spmem:s22], $0x1380  }
0x1a: {  	_ =	swait.ge [sflag:s16], $0x1380  }
0x1b: {  	s30 =	sadd.s32 $0x1, s30;
	[sflag:s16] =	ssyncset.done $0x0  }
0x1c: {  	p1 =	sne.s32 s30, s12;
	[sflag:s16] =	ssyncadd.s32 $0xFFFFEC80  }
0x1d: {  	[hbm:s11], [sflag:s6] =	dma.local @!p0 [spmem:s23], $0x80  }
.Ltmp1:
0x1e: {  	_ = 	snop;
	(pc) =	sbr.rel @!p1 .LBB2_8-.Ltmp1, $4  }
0x1f: {  	s6 =	simm.s32 @!p0 $0x1  }
0x20: {  	_ =	swait.ge @!p0 [sflag:s6], $0x80  }
0x21: {  	[sflag:s6] =	ssyncset.done @!p0 $0x0  }
0x22: {  	[sflag:s6] =	ssyncadd.s32 @!p0 $0xFFFFFF80  }
.LBB2_1:
0x23: {  	s13 =	simm.s32 $0x0;
	s14 =	simm.s32 $0x200  }
.LBB2_2:
0x24: {  	p1 =	sne.s32 s14, $0x7E00;
	[tilespmem:s13+$0x1A270] =	vst v2  }
0x25: {  	[tilespmem:s13+$0x1A200] =	vst v2  }
0x26: {  	[tilespmem:s13+$0x1A210] =	vst v2  }
.Ltmp2:
0x27: {  	[tilespmem:s13+$0x1A220] =	vst v2;
	(pc) =	sbr.rel @p1 .LBB2_2-.Ltmp2, $4  }
0x28: {  	[tilespmem:s13+$0x1A230] =	vst v2  }
0x29: {  	[tilespmem:s13+$0x1A240] =	vst v2  }
0x2a: {  	[tilespmem:s13+$0x1A250] =	vst v2  }
0x2b: {  	[tilespmem:s13+$0x1A260] =	vst v2;
	s13 =	sshra.s32 s14, $0x2;
	s14 =	sadd.s32 $0x200, s14  }
0x2c: {  	[tilespmem:s13+$0x1A270] =	vst v2  }
0x2d: {  	[tilespmem:s13+$0x1A200] =	vst v2  }
0x2e: {  	[tilespmem:s13+$0x1A210] =	vst v2  }
0x2f: {  	[tilespmem:s13+$0x1A220] =	vst v2  }
0x30: {  	[tilespmem:s13+$0x1A230] =	vst v2  }
0x31: {  	[tilespmem:s13+$0x1A240] =	vst v2  }
0x32: {  	[tilespmem:s13+$0x1A250] =	vst v2  }
0x33: {  	[tilespmem:s13+$0x1A260] =	vst v2  }
0x34: {  	[spmem:s4] =	stream.linear.scatter [tilespmem:s15], [sflag:$0x1], $0x2000, $0x38;
	[tilespmem:$0x1C200] =	vst v63  }
0x35: {  	_ =	swait.ge [sflag:s16], $0x2000  }
0x36: {  	[sflag:s16] =	ssyncset.done $0x0  }
0x37: {  	s6 =	rddreg [dreg:$0x5];
	[sflag:s16] =	ssyncadd.s32 $0xFFFFE000  }
0x38: {  	[spmem:s6] =	stream.linear.scatter [tilespmem:s15], [sflag:$0x1], $0x2000, $0x38;
	[tilespmem:$0x1C200] =	vst v63  }
0x39: {  	_ =	swait.ge [sflag:s16], $0x2000  }
0x3a: {  	[sflag:s16] =	ssyncset.done $0x0  }
0x3b: {  	s14 =	rddreg [dreg:$0x6];
	[sflag:s16] =	ssyncadd.s32 $0xFFFFE000  }
0x3c: {  	[spmem:s14] =	stream.linear.scatter [tilespmem:s15], [sflag:$0x1], $0x2000, $0x38;
	[tilespmem:$0x1C200] =	vst v63  }
0x3d: {  	_ =	swait.ge [sflag:s16], $0x2000  }
0x3e: {  	[sflag:s16] =	ssyncset.done $0x0  }
0x3f: {  	[sflag:s16] =	ssyncadd.s32 $0xFFFFE000  }
0x40: {  	[spmem:s7] =	stream.linear.scatter [tilespmem:s15], [sflag:$0x1], $0x2000, $0x38;
	[tilespmem:$0x1C200] =	vst v63  }
0x41: {  	_ =	swait.ge [sflag:s16], $0x2000  }
0x42: {  	[sflag:s16] =	ssyncset.done $0x0  }
0x43: {  	[sflag:s16] =	ssyncadd.s32 $0xFFFFE000  }
0x44: {  	[spmem:s9] =	stream.linear.scatter [tilespmem:s15], [sflag:$0x1], $0x2000, $0x38;
	[tilespmem:$0x1C200] =	vst v63  }
.Ltmp3:
0x45: {  	_ =	swait.ge [sflag:s16], $0x2000;
	(pc) =	sbr.rel .LBB2_4-.Ltmp3, $4  }
0x46: {  	[sflag:s16] =	ssyncset.done $0x0  }
0x47: {  	[sflag:s16] =	ssyncadd.s32 $0xFFFFE000  }
0x48: {  	[bflag:$0x0] =	sbarrier.arrive $0xFFFF  }
0x49: {  	s31 =	simm.s32 $0x0;
	s13 =	smov.u32 s5;
	s14 =	smov.u32 s0  }
.LBB2_6:
0x4a: {  	s31 =	sadd.s32 $0x10, s31  }
0x4b: {  	p1 =	sne.s32 s31, $0x280  }
.Ltmp4:
0x4c: {  	_ = 	snop;
	(pc) =	sbr.rel @!p1 .LBB2_7-.Ltmp4, $2  }
0x4d: {  	_ =	sdelay $0x2  }
0x4e: {  	s13 =	sadd.s32 $0x20000, s13;
	s14 =	sadd.s32 $0x400, s14  }
.LBB2_4:
0x4f: {  	s6 =	sadd.s32 s31, s2  }
0x50: {  	p1 =	sgt.u32 s6, $0x270  }
.Ltmp5:
0x51: {  	_ = 	snop;
	(pc) =	sbr.rel @p1 .LBB2_6-.Ltmp5, $1  }
0x52: {  	_ =	sdelay $0x3  }
0x53: {  	[tilespmem:s17], [sflag:$0x2] =	stream.linear.gather [hbm4b:s13+s3], $0x10000, $0x38;
	[tilespmem:$0x1C200] =	vst v63  }
0x54: {  	_ =	swait.ge [sflag:s18], $0x10000  }
0x55: {  	[sflag:s18] =	ssyncset.done $0x0  }
0x56: {  	[sflag:s18] =	ssyncadd.s32 $0xFFFF0000  }
0x57: {  	[tilespmem:s19], [sflag:$0x2] =	stream.linear.gather [hbm4b:s14+s3], $0x200, $0x38;
	[tilespmem:$0x1C200] =	vst v63  }
0x58: {  	_ =	swait.ge [sflag:s18], $0x200  }
0x59: {  	[sflag:s18] =	ssyncset.done $0x0  }
0x5a: {  	[sflag:s18] =	ssyncadd.s32 $0xFFFFFE00  }
0x5b: {  	v3 =	vld [tilespmem:$0x1A000]  }
0x5c: {  	v4 =	vld [tilespmem:$0x1A010]  }
0x5d: {  	v5 =	vld [tilespmem:$0x1A020]  }
0x5e: {  	v6 =	vld [tilespmem:$0x1A030]  }
0x5f: {  	v7 =	vld [tilespmem:$0x1A040]  }
0x60: {  	v8 =	vld [tilespmem:$0x1A050]  }
0x61: {  	v9 =	vld [tilespmem:$0x1A060]  }
0x62: {  	v17 =	vld [tilespmem:$0x1A0E0]  }
0x63: {  	v18 =	vld [tilespmem:$0x1A0F0]  }
0x64: {  	v19 =	vld [tilespmem:$0x1A100]  }
0x65: {  	v20 =	vld [tilespmem:$0x1A110]  }
0x66: {  	v38 =	vld [tilespmem:$0x1A130]  }
0x67: {  	v42 =	vld [tilespmem:$0x1A150]  }
0x68: {  	v43 =	vld [tilespmem:$0x1A160];
	vm0 =	vge.s32 v3, v0;
	vm1 =	vlt.s32 v3, v1;
	v3 =	vsub.s32 v3, v0  }
0x69: {  	v45 =	vld [tilespmem:$0x1A170];
	vm4 =	vge.s32 v4, v0;
	vm2 =	vlt.s32 v4, v1;
	v4 =	vsub.s32 v4, v0  }
0x6a: {  	v46 =	vld [tilespmem:$0x1A180];
	vm6 =	vge.s32 v5, v0;
	vm7 =	vlt.s32 v5, v1;
	vm8 =	vge.s32 v6, v0  }
0x6b: {  	v49 =	vld [tilespmem:$0x1A190];
	vm9 =	vlt.s32 v6, v1;
	v5 =	vsub.s32 v5, v0;
	v6 =	vsub.s32 v6, v0  }
0x6c: {  	v51 =	vld [tilespmem:$0x1A1A0];
	vm10 =	vge.s32 v7, v0;
	vm11 =	vlt.s32 v7, v1;
	vm12 =	vge.s32 v8, v0  }
0x6d: {  	v53 =	vld [tilespmem:$0x1A1B0];
	vm3 =	vlt.s32 v8, v1;
	v7 =	vsub.s32 v7, v0;
	v8 =	vsub.s32 v8, v0  }
0x6e: {  	v57 =	vld [tilespmem:$0x1A1D0];
	vm14 =	vge.s32 v9, v0;
	vm15 =	vlt.s32 v9, v1;
	v9 =	vsub.s32 v9, v0  }
0x6f: {  	v10 =	vld [tilespmem:$0x1A070];
	v35 =	vsub.s32 v17, v0;
	v36 =	vsub.s32 v18, v0;
	v39 =	vsub.s32 v19, v0  }
0x70: {  	v12 =	vld [tilespmem:$0x1A090];
	v41 =	vsub.s32 v20, v0;
	v44 =	vsub.s32 v38, v0;
	v47 =	vsub.s32 v42, v0  }
0x71: {  	v50 =	vsub.s32 v43, v0;
	v52 =	vsub.s32 v45, v0;
	v54 =	vsub.s32 v46, v0  }
0x72: {  	v56 =	vsub.s32 v49, v0;
	v59 =	vsub.s32 v51, v0;
	v60 =	vsub.s32 v53, v0  }
0x73: {  	v62 =	vsub.s32 v57, v0;
	vm0 =	vmand vm0, vm1;
	vm5 =	vmand vm4, vm2  }
0x74: {  	v13 =	vld [tilespmem:$0x1A0A0];
	vm1 =	vmand vm8, vm9;
	vm13 =	vmand vm12, vm3;
	vm8 =	vlt.s32 v10, v1  }
0x75: {  	vm12 =	vge.s32 v12, v0;
	vm4 =	vlt.s32 v17, v1;
	v3 =	vnsel vm0, $0x1388, v3  }
0x76: {  	v11 =	vld [tilespmem:$0x1A080];
	v4 =	vnsel vm5, $0x1388, v4;
	vm0 =	vmand vm6, vm7;
	v6 =	vnsel vm1, $0x1388, v6  }
0x77: {  	v14 =	vld [tilespmem:$0x1A0B0];
	v8 =	vnsel vm13, $0x1388, v8;
	vm6 =	vmand vm14, vm15;
	vm7 =	vge.s32 v10, v0  }
0x78: {  	v16 =	vld [tilespmem:$0x1A0D0];
	v10 =	vsub.s32 v10, v0;
	vm13 =	vlt.s32 v12, v1;
	v12 =	vsub.s32 v12, v0  }
0x79: {  	v34 =	vld [tilespmem:$0x1A120];
	vm14 =	vge.s32 v13, v0;
	vm15 =	vlt.s32 v13, v1;
	v13 =	vsub.s32 v13, v0  }
0x7a: {  	v40 =	vld [tilespmem:$0x1A140];
	vm5 =	vge.s32 v18, v0;
	v5 =	vnsel vm0, $0x1388, v5;
	vm0 =	vmand vm10, vm11  }
0x7b: {  	v9 =	vnsel vm6, $0x1388, v9;
	vm9 =	vmand vm7, vm8;
	vm10 =	vge.s32 v11, v0  }
0x7c: {  	v15 =	vld [tilespmem:$0x1A0C0];
	vm11 =	vlt.s32 v11, v1;
	v11 =	vsub.s32 v11, v0;
	vm1 =	vmand vm12, vm13  }
0x7d: {  	vm6 =	vge.s32 v14, v0;
	vm7 =	vlt.s32 v14, v1;
	v14 =	vsub.s32 v14, v0  }
0x7e: {  	vm12 =	vge.s32 v16, v0;
	vm13 =	vlt.s32 v16, v1;
	v16 =	vsub.s32 v16, v0;
	[tilespmem:$0x1A010] =	vst v4  }
0x7f: {  	[tilespmem:$0x1A050] =	vst v8;
	v4 =	vsub.s32 v34, v0;
	v8 =	vsub.s32 v40, v0;
	v7 =	vnsel vm0, $0x1388, v7  }
0x80: {  	v10 =	vnsel vm9, $0x1388, v10;
	vm0 =	vmand vm10, vm11;
	v12 =	vnsel vm1, $0x1388, v12  }
0x81: {  	[tilespmem:$0x1A000] =	vst v3;
	vm8 =	vmand vm6, vm7;
	vm9 =	vge.s32 v15, v0;
	vm10 =	vlt.s32 v15, v1  }
0x82: {  	[tilespmem:$0x1A030] =	vst v6;
	v15 =	vsub.s32 v15, v0;
	vm6 =	vlt.s32 v18, v1;
	vm7 =	vge.s32 v19, v0  }
0x83: {  	[tilespmem:$0x1A020] =	vst v5;
	v11 =	vnsel vm0, $0x1388, v11;
	vm0 =	vmand vm14, vm15;
	v14 =	vnsel vm8, $0x1388, v14  }
0x84: {  	[tilespmem:$0x1A060] =	vst v9;
	vm11 =	vmand vm9, vm10;
	vm14 =	vmand vm12, vm13;
	vm15 =	vge.s32 v17, v0  }
0x85: {  	vm1 =	vmand vm5, vm6;
	[tilespmem:$0x1A040] =	vst v7;
	vm8 =	vlt.s32 v19, v1;
	vm9 =	vge.s32 v20, v0  }
0x86: {  	vm10 =	vlt.s32 v20, v1;
	vm12 =	vge.s32 v34, v0;
	vm13 =	vlt.s32 v34, v1;
	[tilespmem:$0x1A070] =	vst v10  }
0x87: {  	[tilespmem:$0x1A090] =	vst v12;
	vm6 =	vge.s32 v40, v0;
	v13 =	vnsel vm0, $0x1388, v13;
	v15 =	vnsel vm11, $0x1388, v15  }
0x88: {  	v3 =	vnsel vm14, $0x1388, v16;
	vm0 =	vmand vm15, vm4;
	v37 =	vnsel vm1, $0x1388, v36;
	[tilespmem:$0x1A080] =	vst v11  }
0x89: {  	vm11 =	vmand vm9, vm10;
	vm14 =	vmand vm12, vm13;
	vm15 =	vge.s32 v38, v0;
	[tilespmem:$0x1A0B0] =	vst v14  }
0x8a: {  	vm4 =	vlt.s32 v38, v1;
	vm9 =	vlt.s32 v42, v1;
	vm10 =	vge.s32 v43, v0;
	[tilespmem:$0x1A0A0] =	vst v13  }
0x8b: {  	vm12 =	vge.s32 v45, v0;
	vm13 =	vlt.s32 v45, v1;
	v5 =	vnsel vm0, $0x1388, v35;
	[tilespmem:$0x1A0C0] =	vst v15  }
0x8c: {  	vm0 =	vmand vm7, vm8;
	v9 =	vnsel vm11, $0x1388, v41;
	v4 =	vnsel vm14, $0x1388, v4;
	[tilespmem:$0x1A0D0] =	vst v3  }
0x8d: {  	vm5 =	vmand vm15, vm4;
	vm7 =	vlt.s32 v40, v1;
	vm8 =	vge.s32 v42, v0;
	[tilespmem:$0x1A0F0] =	vst v37  }
0x8e: {  	vm11 =	vlt.s32 v43, v1;
	vm14 =	vmand vm12, vm13;
	vm15 =	vge.s32 v46, v0;
	[tilespmem:$0x1A0E0] =	vst v5  }
0x8f: {  	v55 =	vld [tilespmem:$0x1A1C0];
	vm12 =	vlt.s32 v51, v1;
	vm13 =	vge.s32 v53, v0;
	v7 =	vnsel vm0, $0x1388, v39;
	[tilespmem:$0x1A110] =	vst v9  }
0x90: {  	v11 =	vnsel vm5, $0x1388, v44;
	vm0 =	vmand vm6, vm7;
	vm1 =	vmand vm8, vm9;
	[tilespmem:$0x1A120] =	vst v4  }
0x91: {  	vm6 =	vlt.s32 v46, v1;
	vm8 =	vge.s32 v49, v0;
	vm9 =	vlt.s32 v49, v1;
	[tilespmem:$0x1A100] =	vst v7  }
0x92: {  	v58 =	vld [tilespmem:$0x1A1E0];
	v3 =	vnsel vm0, $0x1388, v8;
	v48 =	vnsel vm1, $0x1388, v47;
	vm0 =	vmand vm10, vm11;
	[tilespmem:$0x1A130] =	vst v11  }
0x93: {  	v61 =	vld [tilespmem:$0x1A1F0];
	v7 =	vnsel vm14, $0x1388, v52;
	vm7 =	vmand vm15, vm6;
	vm10 =	vmand vm8, vm9;
	[tilespmem:$0x1A140] =	vst v3  }
0x94: {  	vm11 =	vge.s32 v51, v0;
	vm14 =	vlt.s32 v53, v1;
	vm15 =	vge.s32 v55, v0;
	[tilespmem:$0x1A150] =	vst v48  }
0x95: {  	vm6 =	vlt.s32 v55, v1;
	vm8 =	vlt.s32 v57, v1;
	v5 =	vnsel vm0, $0x1388, v50;
	[tilespmem:$0x1A170] =	vst v7  }
0x96: {  	v4 =	vnsel vm7, $0x1388, v54;
	v3 =	vnsel vm10, $0x1388, v56;
	vm0 =	vmand vm11, vm12;
	[tilespmem:$0x1A160] =	vst v5  }
0x97: {  	vm1 =	vmand vm13, vm14;
	vm7 =	vge.s32 v57, v0;
	vm10 =	vge.s32 v58, v0;
	[tilespmem:$0x1A180] =	vst v4  }
0x98: {  	vm11 =	vlt.s32 v58, v1;
	vm13 =	vge.s32 v61, v0;
	v5 =	vnsel vm0, $0x1388, v59;
	[tilespmem:$0x1A190] =	vst v3  }
0x99: {  	v6 =	vnsel vm1, $0x1388, v60;
	vm0 =	vmand vm15, vm6;
	v3 =	vsub.s32 v55, v0;
	[tilespmem:$0x1A1A0] =	vst v5  }
0x9a: {  	vm14 =	vlt.s32 v61, v1;
	vm9 =	vmand vm7, vm8;
	v3 =	vnsel vm0, $0x1388, v3;
	[tilespmem:$0x1A1B0] =	vst v6  }
0x9b: {  	vm12 =	vmand vm10, vm11;
	v4 =	vnsel vm9, $0x1388, v62;
	[tilespmem:$0x1A1C0] =	vst v3;
	v3 =	vsub.s32 v58, v0  }
0x9c: {  	v63 =	vsub.s32 v61, v0;
	vm15 =	vmand vm13, vm14;
	[tilespmem:$0x1A1D0] =	vst v4;
	v3 =	vnsel vm12, $0x1388, v3  }
0x9d: {  	[tilespmem:$0x1A1E0] =	vst v3;
	v3 =	vnsel vm15, $0x1388, v63  }
0x9e: {  	[tilespmem:$0x1A1F0] =	vst v3  }
0x9f: {  	[spmem:s1] =	stream.indirect.scatter.add.f32 [tilespmem:s17], [sflag:$0x2], $0x80, s19, s20, $0xb8;
	[tilespmem:$0x1C200] =	vst v63  }
0xa0: {  	_ =	swait.ge [sflag:s18], $0x4000  }
0xa1: {  	[sflag:s18] =	ssyncset.done $0x0  }
0xa2: {  	[sflag:s18] =	ssyncadd.s32 $0xFFFFC000  }
0xa3: {  	[spmem:s1] =	stream.indirect.scatter.add.f32 [tilespmem:s24], [sflag:$0x2], $0x80, s21, s20, $0xb8;
	[tilespmem:$0x1C200] =	vst v63  }
0xa4: {  	_ =	swait.ge [sflag:s18], $0x4000  }
0xa5: {  	[sflag:s18] =	ssyncset.done $0x0  }
0xa6: {  	[sflag:s18] =	ssyncadd.s32 $0xFFFFC000  }
0xa7: {  	[spmem:s1] =	stream.indirect.scatter.add.f32 [tilespmem:s26], [sflag:$0x2], $0x80, s25, s20, $0xb8;
	[tilespmem:$0x1C200] =	vst v63  }
0xa8: {  	_ =	swait.ge [sflag:s18], $0x4000  }
0xa9: {  	[sflag:s18] =	ssyncset.done $0x0  }
.Ltmp6:
0xaa: {  	[sflag:s18] =	ssyncadd.s32 $0xFFFFC000;
	(pc) =	sbr.rel .LBB2_6-.Ltmp6, $4  }
0xab: {  	[spmem:s1] =	stream.indirect.scatter.add.f32 [tilespmem:s29], [sflag:$0x1], $0x80, s28, s20, $0xb8;
	[tilespmem:$0x1C200] =	vst v63  }
0xac: {  	_ =	swait.ge [sflag:s16], $0x4000  }
0xad: {  	[sflag:s16] =	ssyncset.done $0x0  }
0xae: {  	[sflag:s16] =	ssyncadd.s32 $0xFFFFC000  }
.LBB2_8:
0xaf: {  	_ =	sfence.sel $0x180000  }
0xb0: {  	[bflag:$0x0] =	sbarrier.arrive $0xFFFF  }
0xb1: {  	_ =	strace $0x90000047  }
0xb2: {  	[bflag:$0x2] =	sbarrier.arrive $0xFFFF  }
0xb3: {  	s0 =	rddreg [dreg:$0x4]  }
0xb4: {  	s0 =	sadd.s32 @!p0 $0x100000, s0  }
0xb5: {  	[sflag:s0] =	ssyncadd.tile.s32 @!p0 $0x1;
	_ =	shalt  }
.Lfunc_end2:
_tile_overlayer_lowered:
.L_overlay_start_2:
0xb6: {  	(tag) =	ssettag $0x2  }
0xb7: {  	s0 =	rddreg [dreg:$0x0];
	s2 =	stileid.u32  }
0xb8: {  	s1 =	rddreg [dreg:$0x1];
	p0 =	sne.s32 s2, $0x0  }
0xb9: {  	s3 =	rddreg [dreg:$0x2];
	[bflag:$0x3] =	sbarrier.arrive $0xFFFF;
	s2 =	simm.s32 @!p0 $0x1C01  }
0xba: {  	[timem:s3], [sflag:s2] =	dma.local @!p0 [hbm:s0], s1  }
0xbb: {  	s0 =	simm.s32 @!p0 $0x1  }
0xbc: {  	_ =	swait.ge @!p0 [sflag:s0], s1  }
0xbd: {  	s1 =	ssub.s32 @!p0 $0x0, s1;
	[sflag:s0] =	ssyncset.done @!p0 $0x0  }
0xbe: {  	[sflag:s0] =	ssyncadd.s32 @!p0 s1  }
0xbf: {  	[bflag:$0x3] =	sbarrier.arrive $0xFFFF  }
0xc0: {  	_ =	shalt  }

</sc_bundles>
